<compile_context>
chip_gen: v7x
topology: tpu7x:2x2x1
jax: 0.10.2.dev20260603
libtpu: 0.0.44.dev20260713+nightly
codegen_flags: <defaults>
</compile_context>

<pallas_src>
import functools

import jax
import jax.numpy as jnp
from jax import lax
from jax.experimental import pallas as pl
from jax.experimental.pallas import tpu as pltpu
from jax.experimental.pallas import tpu_sc as plsc

K = 300
KPAD = 320
NSLOT = 384
BN = 2000
NROW = 160
NPAD = NROW * 128


def _score_kernel(mem_ref, lg_ref, an_ref, w1_ref, b1_ref, w2_ref, b2_ref,
                  wp_ref, bp_ref, out_ref):
    m = mem_ref[0]
    h = jnp.maximum(
        jnp.dot(m, w1_ref[...], preferred_element_type=jnp.float32)
        + b1_ref[...], 0.0)
    proj = jnp.dot(h, w2_ref[...], preferred_element_type=jnp.float32) \
        + b2_ref[...]
    wh = jax.nn.sigmoid(an_ref[0][:, 2:4])
    area = wh[:, 0:1] * wh[:, 1:2]
    maskf = (area < 0.1).astype(jnp.float32)
    enh = m + proj * maskf
    sw = jax.nn.sigmoid(
        jnp.dot(enh, wp_ref[...], preferred_element_type=jnp.float32)
        + bp_ref[...])
    cls = jnp.max(lg_ref[0], axis=-1, keepdims=True)
    out_ref[0] = cls * (1.0 + sw * maskf)


def _select_kernel(s_ref, out_ref, posx_ref, hi_ref, lo_ref, acc_ref):
    S = jnp.maximum(s_ref[0], -3.0e38)
    bits = lax.bitcast_convert_type(S, jnp.int32)
    key = bits ^ (lax.shift_right_arithmetic(bits, 31) & jnp.int32(0x7FFFFFFF))

    base = jnp.where(jnp.sum((key >= 0).astype(jnp.int32)) >= K,
                     jnp.int32(0), jnp.int32(-2147483648))
    for b in range(30, -1, -1):
        cand = base + jnp.int32(1 << b)
        cnt = jnp.sum((key >= cand).astype(jnp.int32))
        base = jnp.where(cnt >= K, cand, base)
    T = base
    gt = key > T
    need_eq = (K - jnp.sum(gt.astype(jnp.int32))).astype(jnp.float32)

    io0 = lax.broadcasted_iota(jnp.int32, (128, 128), 0)
    io1 = lax.broadcasted_iota(jnp.int32, (128, 128), 1)
    U = (io0 < io1).astype(jnp.float32)
    I128 = (io0 == io1).astype(jnp.float32)
    r0 = lax.broadcasted_iota(jnp.int32, (NROW, NROW), 0)
    r1 = lax.broadcasted_iota(jnp.int32, (NROW, NROW), 1)
    Lst = (r1 < r0).astype(jnp.float32)

    hp = jax.lax.Precision.HIGHEST

    def ex_prefix(maskf):
        inrow = jnp.dot(maskf, U, preferred_element_type=jnp.float32,
                        precision=hp)
        rowoff = jnp.dot(Lst, jnp.sum(maskf, axis=1, keepdims=True),
                         preferred_element_type=jnp.float32, precision=hp)
        return inrow + rowoff

    eq = key == T
    eq_rank = ex_prefix(eq.astype(jnp.float32))
    sel = gt | (eq & (eq_rank < need_eq))
    self_f = sel.astype(jnp.float32)
    pos = ex_prefix(self_f)
    posx_ref[...] = jnp.where(sel, pos, 3.0e6)

    acc_ref[...] = jnp.zeros((3, NSLOT), jnp.float32)
    iota_slot = lax.broadcasted_iota(
        jnp.int32, (1, NSLOT), 1).astype(jnp.float32)
    lane_io = lax.broadcasted_iota(
        jnp.int32, (1, 128), 1).astype(jnp.float32)
    hi_ref[...] = lax.shift_right_arithmetic(key, 16).astype(jnp.float32)
    lo_ref[...] = (key & jnp.int32(0xFFFF)).astype(jnp.float32)

    CH = 16

    def body(r0, carry):
        pch = posx_ref[pl.ds(r0 * CH, CH), :]
        hch = hi_ref[pl.ds(r0 * CH, CH), :]
        lch = lo_ref[pl.ds(r0 * CH, CH), :]
        pcs, hs, los, lis = [], [], [], []
        for rr in range(CH):
            prow = pch[rr:rr + 1, :]
            pcs.append(jnp.sum(I128 * prow, axis=1, keepdims=True))
            hs.append(hch[rr:rr + 1, :])
            los.append(lch[rr:rr + 1, :])
            lis.append(lane_io
                       + 128.0 * (r0 * CH + rr).astype(jnp.float32))
        pcol = jnp.concatenate(pcs, axis=0)
        oh = (pcol == iota_slot).astype(jnp.float32)
        vals = jnp.concatenate(
            [jnp.concatenate(hs, axis=1), jnp.concatenate(los, axis=1),
             jnp.concatenate(lis, axis=1)], axis=0)
        acc_ref[...] += jnp.dot(vals, oh,
                                preferred_element_type=jnp.float32,
                                precision=hp)
        return carry

    lax.fori_loop(0, NROW // CH, body, 0)

    slot_io = lax.broadcasted_iota(jnp.int32, (1, NSLOT), 1)
    valid = slot_io < K
    hic = jnp.where(valid, acc_ref[0:1, :], -32768.0)
    loc = jnp.where(valid, acc_ref[1:2, :], 0.0)
    lic = jnp.where(valid, acc_ref[2:3, :], 4.0e6 + iota_slot)

    hcols, locols, lcols = [], [], []
    for c in range(NSLOT // 128):
        sl = slice(c * 128, (c + 1) * 128)
        hcols.append(jnp.sum(I128 * hic[:, sl], axis=1, keepdims=True))
        locols.append(jnp.sum(I128 * loc[:, sl], axis=1, keepdims=True))
        lcols.append(jnp.sum(I128 * lic[:, sl], axis=1, keepdims=True))
    hcol = jnp.concatenate(hcols, axis=0)
    locol = jnp.concatenate(locols, axis=0)
    lcol = jnp.concatenate(lcols, axis=0)

    keyr = (jnp.left_shift(hic.astype(jnp.int32), 16)
            | loc.astype(jnp.int32))
    keya = (jnp.left_shift(hcol.astype(jnp.int32), 16)
            | locol.astype(jnp.int32))

    before = (keyr > keya) | ((keyr == keya) & (lic < lcol))
    ranks = jnp.sum(before.astype(jnp.float32), axis=1, keepdims=True)
    oh2 = (ranks == iota_slot).astype(jnp.float32)
    ordered = jnp.sum(oh2 * lcol, axis=0, keepdims=True)

    pid = pl.program_id(0)
    out_ref[0] = (jnp.where(valid, ordered.astype(jnp.int32), 0)
                  + pid * 20000)


def _sc_gather(nb, idx_hbm, mem_hbm, la_hbm,
               om_hbm, ola_hbm, idx_v, mem_v, la_v, sem):
    wid = lax.axis_index("s") * 2 + lax.axis_index("c")
    base = wid * nb
    pltpu.sync_copy(idx_hbm.at[pl.ds(base, nb)], idx_v)
    pltpu.async_copy(mem_hbm.at[idx_v], mem_v, sem).wait()
    pltpu.async_copy(la_hbm.at[idx_v], la_v, sem).wait()
    pltpu.sync_copy(mem_v, om_hbm.at[pl.ds(base, nb)])
    pltpu.sync_copy(la_v, ola_hbm.at[pl.ds(base, nb)])


def kernel(memory, outputs_logits, anchors, W1, b1, W2, b2, Wp, bp, topk):
    bs, N, H = memory.shape
    C = outputs_logits.shape[-1]
    f32 = jnp.float32

    scores3 = pl.pallas_call(
        _score_kernel,
        grid=(bs, N // BN),
        in_specs=[
            pl.BlockSpec((1, BN, H), lambda b, i: (b, i, 0)),
            pl.BlockSpec((1, BN, C), lambda b, i: (b, i, 0)),
            pl.BlockSpec((1, BN, 4), lambda b, i: (b, i, 0)),
            pl.BlockSpec((H, H // 2), lambda b, i: (0, 0)),
            pl.BlockSpec((1, H // 2), lambda b, i: (0, 0)),
            pl.BlockSpec((H // 2, H), lambda b, i: (0, 0)),
            pl.BlockSpec((1, H), lambda b, i: (0, 0)),
            pl.BlockSpec((H, 1), lambda b, i: (0, 0)),
            pl.BlockSpec((1, 1), lambda b, i: (0, 0)),
        ],
        out_specs=pl.BlockSpec((1, BN, 1), lambda b, i: (b, i, 0)),
        out_shape=jax.ShapeDtypeStruct((bs, N, 1), f32),
        compiler_params=pltpu.CompilerParams(
            dimension_semantics=("parallel", "parallel")),
    )(memory, outputs_logits, anchors,
      W1, b1.reshape(1, -1), W2, b2.reshape(1, -1), Wp, bp.reshape(1, 1))

    spad = jnp.concatenate(
        [scores3[..., 0], jnp.full((bs, NPAD - N), -jnp.inf, f32)],
        axis=1).reshape(bs, NROW, 128)

    idx = pl.pallas_call(
        _select_kernel,
        grid=(bs,),
        in_specs=[pl.BlockSpec((1, NROW, 128), lambda b: (b, 0, 0))],
        out_specs=pl.BlockSpec((1, 1, NSLOT), lambda b: (b, 0, 0)),
        out_shape=jax.ShapeDtypeStruct((bs, 1, NSLOT), jnp.int32),
        scratch_shapes=[pltpu.VMEM((NROW, 128), f32),
                        pltpu.VMEM((NROW, 128), f32),
                        pltpu.VMEM((NROW, 128), f32),
                        pltpu.VMEM((3, NSLOT), f32)],
        compiler_params=pltpu.CompilerParams(
            dimension_semantics=("parallel",)),
    )(spad)

    idx_flat = idx[:, 0, :KPAD].reshape(bs * KPAD)

    la = jnp.pad(
        jnp.concatenate([outputs_logits.reshape(bs * N, C),
                         anchors.reshape(bs * N, 4)], axis=1),
        ((0, 0), (0, 128 - C - 4)))
    nw = 32
    nb = (bs * KPAD) // nw
    mesh = plsc.VectorSubcoreMesh(core_axis_name="c", subcore_axis_name="s")
    gath = functools.partial(
        pl.kernel, mesh=mesh,
        out_type=[jax.ShapeDtypeStruct((bs * KPAD, H), f32),
                  jax.ShapeDtypeStruct((bs * KPAD, 128), f32)],
        scratch_types=[pltpu.VMEM((nb,), jnp.int32),
                       pltpu.VMEM((nb, H), f32),
                       pltpu.VMEM((nb, 128), f32),
                       pltpu.SemaphoreType.DMA],
    )(functools.partial(_sc_gather, nb))
    om, ola = gath(idx_flat, memory.reshape(bs * N, H), la)

    topk_memory = om.reshape(bs, KPAD, H)[:, :K]
    topk_logits = ola.reshape(bs, KPAD, 128)[:, :K, :C]
    topk_anchors = ola.reshape(bs, KPAD, 128)[:, :K, C:C + 4]
    return (topk_memory, topk_logits, topk_anchors)

# --- scband reference (transcript-rebuilt; emitter-appended) ---
"""Pipeline reference for scband-small-object-aware-query-selection-21895743275401 (READ-ONLY COPY).

The authoritative reference and input builder live on the scoring server;
editing this copy changes nothing except your own understanding.
"""

import jax, jax.numpy as jnp
import numpy as np


def setup_inputs(seed: int = 0) -> dict:
    key = jax.random.key(seed)
    ks = jax.random.split(key, 10)
    bs, N, H, C = 4, 20000, 256, 80
    memory = jax.random.normal(ks[0], (bs, N, H), dtype=jnp.float32)
    outputs_logits = jax.random.normal(ks[1], (bs, N, C), dtype=jnp.float32)
    anchors = jax.random.normal(ks[2], (bs, N, 4), dtype=jnp.float32)
    s1 = 1.0 / np.sqrt(H)
    s2 = 1.0 / np.sqrt(H // 2)
    W1 = jax.random.uniform(ks[3], (H, H // 2), jnp.float32, -s1, s1)
    b1 = jax.random.uniform(ks[4], (H // 2,), jnp.float32, -s1, s1)
    W2 = jax.random.uniform(ks[5], (H // 2, H), jnp.float32, -s2, s2)
    b2 = jax.random.uniform(ks[6], (H,), jnp.float32, -s2, s2)
    Wp = jax.random.uniform(ks[7], (H, 1), jnp.float32, -s1, s1)
    bp = jax.random.uniform(ks[8], (1,), jnp.float32, -s1, s1)
    return {"memory": memory, "outputs_logits": outputs_logits, "anchors": anchors,
            "W1": W1, "b1": b1, "W2": W2, "b2": b2, "Wp": Wp, "bp": bp, "topk": 300}


def reference(memory, outputs_logits, anchors, W1, b1, W2, b2, Wp, bp, topk):
    small_object_threshold = 0.1
    anchors_sigmoid = jax.nn.sigmoid(anchors)
    anchor_wh = anchors_sigmoid[..., 2:]
    anchor_areas = anchor_wh[..., 0] * anchor_wh[..., 1]
    small_object_mask = (anchor_areas < small_object_threshold).astype(jnp.float32)
    cls_scores = jnp.max(outputs_logits, axis=-1)
    h = jax.nn.relu(memory @ W1 + b1)
    proj = h @ W2 + b2
    enhanced_memory = memory + proj * small_object_mask[..., None]
    scale_weights = jax.nn.sigmoid(enhanced_memory @ Wp + bp)[..., 0]
    object_aware_scores = cls_scores * (1.0 + scale_weights * small_object_mask)
    topk_static = 300
    topk_unit = (jnp.asarray(topk) // jnp.asarray(topk)).astype(object_aware_scores.dtype)
    object_aware_scores = object_aware_scores * topk_unit
    _, topk_ind = jax.lax.top_k(object_aware_scores, topk_static)
    idx = topk_ind[..., None]
    topk_anchors = jnp.take_along_axis(anchors, idx, axis=1)
    topk_logits = jnp.take_along_axis(outputs_logits, idx, axis=1)
    topk_memory = jnp.take_along_axis(memory, idx, axis=1)
    return (topk_memory, topk_logits, topk_anchors)

if __name__ == "__main__":
    import jax
    _d = setup_inputs()
    print(jax.jit(kernel)(*tuple(_d.values())))

</pallas_src>

<mosaic_0001>
#map = affine_map<(d0, d1) -> (0)>
#map1 = affine_map<(d0, d1) -> (0, 0)>
module attributes {stable_mosaic.version = 14 : i64} {
  func.func @_sc_gather(%arg0: i32, %arg1: i32, %arg2: memref<1280xi32, #tpu.memory_space<hbm>>, %arg3: memref<80000x256xf32, #tpu.memory_space<hbm>>, %arg4: memref<80000x128xf32, #tpu.memory_space<hbm>>, %arg5: memref<1280x256xf32, #tpu.memory_space<hbm>>, %arg6: memref<1280x128xf32, #tpu.memory_space<hbm>>, %arg7: memref<40xi32, #tpu.memory_space<vmem>>, %arg8: memref<40x256xf32, #tpu.memory_space<vmem>>, %arg9: memref<40x128xf32, #tpu.memory_space<vmem>>, %arg10: memref<!tpu.dma_semaphore, #tpu.memory_space<semaphore_mem>>) attributes {dimension_semantics = [#tpu.dimension_semantics<core_parallel>, #tpu.dimension_semantics<subcore_parallel>], iteration_bounds = array<i64: 2, 16>, scalar_prefetch = 0 : i64, scratch_operands = 4 : i64, tpu.core_type = #tpu.core_type<sc_vector_subcore>, window_params = [{transform_indices = #map}, {transform_indices = #map1}, {transform_indices = #map1}, {transform_indices = #map1}, {transform_indices = #map1}]} {
    %mul3A = arith.constant 2 : i32
    %mul3A_0 = arith.muli %arg1, %mul3A : i32
    %add3A = arith.addi %mul3A_0, %arg0 : i32
    %mul3A_1 = arith.constant 40 : i32
    %mul3A_2 = arith.muli %add3A, %mul3A_1 : i32
    "tpu.region"() ({
      %run_scoped3A = tpu.sem_alloc : memref<!tpu.dma_semaphore, #tpu.memory_space<semaphore_mem>>
      %dma_start3A_13 = tpu.memref_slice %arg2[%mul3A_2] : memref<1280xi32, #tpu.memory_space<hbm>> -> memref<40xi32, #tpu.memory_space<hbm>>
      %dma_start3A_14 = tpu.memref_slice %arg2[%mul3A_2] : memref<1280xi32, #tpu.memory_space<hbm>> -> memref<40xi32, #tpu.memory_space<hbm>>
      tpu.enqueue_dma source(%dma_start3A_14 : memref<40xi32, #tpu.memory_space<hbm>>) target(%arg7 : memref<40xi32, #tpu.memory_space<vmem>>) target_semaphore(%run_scoped3A : memref<!tpu.dma_semaphore, #tpu.memory_space<semaphore_mem>>)
      %dma_wait3A_15 = tpu.memref_slice %arg2[%mul3A_2] : memref<1280xi32, #tpu.memory_space<hbm>> -> memref<40xi32, #tpu.memory_space<hbm>>
      %dma_wait3A_16 = tpu.memref_slice %arg2[%mul3A_2] : memref<1280xi32, #tpu.memory_space<hbm>> -> memref<40xi32, #tpu.memory_space<hbm>>
      tpu.wait_dma2 semaphore(%run_scoped3A : memref<!tpu.dma_semaphore, #tpu.memory_space<semaphore_mem>>) src(%dma_wait3A_16 : memref<40xi32, #tpu.memory_space<hbm>>) dst(%arg7 : memref<40xi32, #tpu.memory_space<vmem>>)
      tpu.yield
    }) : () -> ()
    %dma_start3A = arith.constant 0 : i32
    %dma_start3A_3 = arith.constant 0 : i32
    %dma_start3A_4 = tpu.memref_slice %arg3[%dma_start3A, %dma_start3A_3] : memref<80000x256xf32, #tpu.memory_space<hbm>> -> memref<80000x256xf32, #tpu.memory_space<hbm>>
    tpu.enqueue_indirect_dma source(%dma_start3A_4 : memref<80000x256xf32, #tpu.memory_space<hbm>>) target(%arg8 : memref<40x256xf32, #tpu.memory_space<vmem>>) offsets(%arg7 : memref<40xi32, #tpu.memory_space<vmem>>) semaphore(%arg10 : memref<!tpu.dma_semaphore, #tpu.memory_space<semaphore_mem>>)
    %dma_wait3A = arith.constant 0 : i32
    %dma_wait3A_5 = arith.constant 0 : i32
    %dma_wait3A_6 = tpu.memref_slice %arg3[%dma_wait3A, %dma_wait3A_5] : memref<80000x256xf32, #tpu.memory_space<hbm>> -> memref<80000x256xf32, #tpu.memory_space<hbm>>
    tpu.wait_indirect_dma semaphore(%arg10 : memref<!tpu.dma_semaphore, #tpu.memory_space<semaphore_mem>>) src(%dma_wait3A_6 : memref<80000x256xf32, #tpu.memory_space<hbm>>) dst(%arg8 : memref<40x256xf32, #tpu.memory_space<vmem>>)
    %dma_start3A_7 = arith.constant 0 : i32
    %dma_start3A_8 = arith.constant 0 : i32
    %dma_start3A_9 = tpu.memref_slice %arg4[%dma_start3A_7, %dma_start3A_8] : memref<80000x128xf32, #tpu.memory_space<hbm>> -> memref<80000x128xf32, #tpu.memory_space<hbm>>
    tpu.enqueue_indirect_dma source(%dma_start3A_9 : memref<80000x128xf32, #tpu.memory_space<hbm>>) target(%arg9 : memref<40x128xf32, #tpu.memory_space<vmem>>) offsets(%arg7 : memref<40xi32, #tpu.memory_space<vmem>>) semaphore(%arg10 : memref<!tpu.dma_semaphore, #tpu.memory_space<semaphore_mem>>)
    %dma_wait3A_10 = arith.constant 0 : i32
    %dma_wait3A_11 = arith.constant 0 : i32
    %dma_wait3A_12 = tpu.memref_slice %arg4[%dma_wait3A_10, %dma_wait3A_11] : memref<80000x128xf32, #tpu.memory_space<hbm>> -> memref<80000x128xf32, #tpu.memory_space<hbm>>
    tpu.wait_indirect_dma semaphore(%arg10 : memref<!tpu.dma_semaphore, #tpu.memory_space<semaphore_mem>>) src(%dma_wait3A_12 : memref<80000x128xf32, #tpu.memory_space<hbm>>) dst(%arg9 : memref<40x128xf32, #tpu.memory_space<vmem>>)
    "tpu.region"() ({
      %run_scoped3A = tpu.sem_alloc : memref<!tpu.dma_semaphore, #tpu.memory_space<semaphore_mem>>
      %dma_start3A_13 = arith.constant 0 : i32
      %dma_start3A_14 = tpu.memref_slice %arg5[%mul3A_2, %dma_start3A_13] : memref<1280x256xf32, #tpu.memory_space<hbm>> -> memref<40x256xf32, #tpu.memory_space<hbm>>
      %dma_start3A_15 = arith.constant 0 : i32
      %dma_start3A_16 = tpu.memref_slice %arg5[%mul3A_2, %dma_start3A_15] : memref<1280x256xf32, #tpu.memory_space<hbm>> -> memref<40x256xf32, #tpu.memory_space<hbm>>
      tpu.enqueue_dma source(%arg8 : memref<40x256xf32, #tpu.memory_space<vmem>>) target(%dma_start3A_16 : memref<40x256xf32, #tpu.memory_space<hbm>>) target_semaphore(%run_scoped3A : memref<!tpu.dma_semaphore, #tpu.memory_space<semaphore_mem>>)
      %dma_wait3A_17 = arith.constant 0 : i32
      %dma_wait3A_18 = tpu.memref_slice %arg5[%mul3A_2, %dma_wait3A_17] : memref<1280x256xf32, #tpu.memory_space<hbm>> -> memref<40x256xf32, #tpu.memory_space<hbm>>
      %dma_wait3A_19 = arith.constant 0 : i32
      %dma_wait3A_20 = tpu.memref_slice %arg5[%mul3A_2, %dma_wait3A_19] : memref<1280x256xf32, #tpu.memory_space<hbm>> -> memref<40x256xf32, #tpu.memory_space<hbm>>
      tpu.wait_dma2 semaphore(%run_scoped3A : memref<!tpu.dma_semaphore, #tpu.memory_space<semaphore_mem>>) src(%arg8 : memref<40x256xf32, #tpu.memory_space<vmem>>) dst(%dma_wait3A_20 : memref<40x256xf32, #tpu.memory_space<hbm>>)
      tpu.yield
    }) : () -> ()
    "tpu.region"() ({
      %run_scoped3A = tpu.sem_alloc : memref<!tpu.dma_semaphore, #tpu.memory_space<semaphore_mem>>
      %dma_start3A_13 = arith.constant 0 : i32
      %dma_start3A_14 = tpu.memref_slice %arg6[%mul3A_2, %dma_start3A_13] : memref<1280x128xf32, #tpu.memory_space<hbm>> -> memref<40x128xf32, #tpu.memory_space<hbm>>
      %dma_start3A_15 = arith.constant 0 : i32
      %dma_start3A_16 = tpu.memref_slice %arg6[%mul3A_2, %dma_start3A_15] : memref<1280x128xf32, #tpu.memory_space<hbm>> -> memref<40x128xf32, #tpu.memory_space<hbm>>
      tpu.enqueue_dma source(%arg9 : memref<40x128xf32, #tpu.memory_space<vmem>>) target(%dma_start3A_16 : memref<40x128xf32, #tpu.memory_space<hbm>>) target_semaphore(%run_scoped3A : memref<!tpu.dma_semaphore, #tpu.memory_space<semaphore_mem>>)
      %dma_wait3A_17 = arith.constant 0 : i32
      %dma_wait3A_18 = tpu.memref_slice %arg6[%mul3A_2, %dma_wait3A_17] : memref<1280x128xf32, #tpu.memory_space<hbm>> -> memref<40x128xf32, #tpu.memory_space<hbm>>
      %dma_wait3A_19 = arith.constant 0 : i32
      %dma_wait3A_20 = tpu.memref_slice %arg6[%mul3A_2, %dma_wait3A_19] : memref<1280x128xf32, #tpu.memory_space<hbm>> -> memref<40x128xf32, #tpu.memory_space<hbm>>
      tpu.wait_dma2 semaphore(%run_scoped3A : memref<!tpu.dma_semaphore, #tpu.memory_space<semaphore_mem>>) src(%arg9 : memref<40x128xf32, #tpu.memory_space<vmem>>) dst(%dma_wait3A_20 : memref<40x128xf32, #tpu.memory_space<hbm>>)
      tpu.yield
    }) : () -> ()
    return
  }
}

module attributes {stable_mosaic.version = 14 : i64} {
  func.func @_score_kernel(%arg0: i32, %arg1: i32, %arg2: memref<1x2000x256xf32, #tpu.memory_space<vmem>>, %arg3: memref<1x2000x80xf32, #tpu.memory_space<vmem>>, %arg4: memref<1x2000x4xf32, #tpu.memory_space<vmem>>, %arg5: memref<256x128xf32, #tpu.memory_space<vmem>>, %arg6: memref<1x128xf32, #tpu.memory_space<vmem>>, %arg7: memref<128x256xf32, #tpu.memory_space<vmem>>, %arg8: memref<1x256xf32, #tpu.memory_space<vmem>>, %arg9: memref<256x1xf32, #tpu.memory_space<vmem>>, %arg10: memref<1x1xf32, #tpu.memory_space<vmem>>, %arg11: memref<1x2000x1xf32, #tpu.memory_space<vmem>>) attributes {dimension_semantics = [#tpu.dimension_semantics<parallel>, #tpu.dimension_semantics<parallel>], iteration_bounds = array<i64: 4, 10>, scalar_prefetch = 0 : i64, scratch_operands = 0 : i64, tpu.core_type = #tpu.core_type<tc>, window_params = [{transform_indices = @transform_0, window_bounds = array<i64: 1, 2000, 256>}, {transform_indices = @transform_1, window_bounds = array<i64: 1, 2000, 80>}, {transform_indices = @transform_2, window_bounds = array<i64: 1, 2000, 4>}, {pipeline_mode = #tpu.pipeline_mode<synchronous>, transform_indices = @transform_3, window_bounds = array<i64: 256, 128>}, {pipeline_mode = #tpu.pipeline_mode<synchronous>, transform_indices = @transform_4, window_bounds = array<i64: 1, 128>}, {pipeline_mode = #tpu.pipeline_mode<synchronous>, transform_indices = @transform_5, window_bounds = array<i64: 128, 256>}, {pipeline_mode = #tpu.pipeline_mode<synchronous>, transform_indices = @transform_6, window_bounds = array<i64: 1, 256>}, {pipeline_mode = #tpu.pipeline_mode<synchronous>, transform_indices = @transform_7, window_bounds = array<i64: 256, 1>}, {pipeline_mode = #tpu.pipeline_mode<synchronous>, transform_indices = @transform_8, window_bounds = array<i64: 1, 1>}, {transform_indices = @transform_9, window_bounds = array<i64: 1, 2000, 1>}]} {
    %get3A = arith.constant 0 : index
    %get3A_0 = arith.constant 0 : index
    %get3A_1 = arith.constant 0 : index
    %get3A_2 = vector.load %arg2[%get3A, %get3A_0, %get3A_1] : memref<1x2000x256xf32, #tpu.memory_space<vmem>>, vector<1x2000x256xf32>
    %get3A_3 = vector.shape_cast %get3A_2 : vector<1x2000x256xf32> to vector<2000x256xf32>
    %get3A_4 = arith.constant 0 : index
    %get3A_5 = arith.constant 0 : index
    %get3A_6 = vector.load %arg5[%get3A_4, %get3A_5] : memref<256x128xf32, #tpu.memory_space<vmem>>, vector<256x128xf32>
    %dot_general3A = arith.constant dense<0.000000e+00> : vector<2000x128xf32>
    %dot_general3A_7 = tpu.matmul %get3A_3, %get3A_6, %dot_general3A {dimension_numbers = #tpu.dot_dimension_numbers<[1], [0], [0], [1], [0, 0, 1, 1], [], []>, transpose_lhs_hint = false} : vector<2000x256xf32>, vector<256x128xf32>, vector<2000x128xf32> -> vector<2000x128xf32>
    %get3A_8 = arith.constant 0 : index
    %get3A_9 = arith.constant 0 : index
    %get3A_10 = vector.load %arg6[%get3A_8, %get3A_9] : memref<1x128xf32, #tpu.memory_space<vmem>>, vector<1x128xf32>
    %add3A = vector.broadcast %get3A_10 : vector<1x128xf32> to vector<2000x128xf32>
    %add3A_11 = arith.addf %dot_general3A_7, %add3A : vector<2000x128xf32>
    %max3A = arith.constant 0.000000e+00 : f32
    %max3A_12 = vector.broadcast %max3A : f32 to vector<2000x128xf32>
    %max3A_13 = arith.maximumf %add3A_11, %max3A_12 : vector<2000x128xf32>
    %get3A_14 = arith.constant 0 : index
    %get3A_15 = arith.constant 0 : index
    %get3A_16 = vector.load %arg7[%get3A_14, %get3A_15] : memref<128x256xf32, #tpu.memory_space<vmem>>, vector<128x256xf32>
    %dot_general3A_17 = arith.constant dense<0.000000e+00> : vector<2000x256xf32>
    %dot_general3A_18 = tpu.matmul %max3A_13, %get3A_16, %dot_general3A_17 {dimension_numbers = #tpu.dot_dimension_numbers<[1], [0], [0], [1], [0, 0, 1, 1], [], []>, transpose_lhs_hint = false} : vector<2000x128xf32>, vector<128x256xf32>, vector<2000x256xf32> -> vector<2000x256xf32>
    %get3A_19 = arith.constant 0 : index
    %get3A_20 = arith.constant 0 : index
    %get3A_21 = vector.load %arg8[%get3A_19, %get3A_20] : memref<1x256xf32, #tpu.memory_space<vmem>>, vector<1x256xf32>
    %add3A_22 = vector.broadcast %get3A_21 : vector<1x256xf32> to vector<2000x256xf32>
    %add3A_23 = arith.addf %dot_general3A_18, %add3A_22 : vector<2000x256xf32>
    %get3A_24 = arith.constant 0 : index
    %get3A_25 = arith.constant 0 : index
    %get3A_26 = arith.constant 0 : index
    %get3A_27 = vector.load %arg4[%get3A_24, %get3A_25, %get3A_26] : memref<1x2000x4xf32, #tpu.memory_space<vmem>>, vector<1x2000x4xf32>
    %get3A_28 = vector.shape_cast %get3A_27 : vector<1x2000x4xf32> to vector<2000x4xf32>
    %slice3A = vector.extract_strided_slice %get3A_28 {offsets = [0, 2], sizes = [2000, 2], strides = [1, 1]} : vector<2000x4xf32> to vector<2000x2xf32>
    %logistic3A = arith.negf %slice3A : vector<2000x2xf32>
    %logistic3A_29 = math.exp %logistic3A : vector<2000x2xf32>
    %logistic3A_30 = arith.constant 1.000000e+00 : f32
    %logistic3A_31 = vector.broadcast %logistic3A_30 : f32 to vector<2000x2xf32>
    %logistic3A_32 = arith.addf %logistic3A_31, %logistic3A_29 : vector<2000x2xf32>
    %logistic3A_33 = arith.divf %logistic3A_31, %logistic3A_32 : vector<2000x2xf32>
    %slice3A_34 = vector.extract_strided_slice %logistic3A_33 {offsets = [0, 0], sizes = [2000, 1], strides = [1, 1]} : vector<2000x2xf32> to vector<2000x1xf32>
    %slice3A_35 = vector.extract_strided_slice %logistic3A_33 {offsets = [0, 1], sizes = [2000, 1], strides = [1, 1]} : vector<2000x2xf32> to vector<2000x1xf32>
    %mul3A = arith.mulf %slice3A_34, %slice3A_35 : vector<2000x1xf32>
    %lt3A = arith.constant 1.000000e-01 : f32
    %lt3A_36 = vector.broadcast %lt3A : f32 to vector<2000x1xf32>
    %lt3A_37 = arith.cmpf olt, %mul3A, %lt3A_36 : vector<2000x1xf32>
    %convert_element_type3A = arith.extui %lt3A_37 : vector<2000x1xi1> to vector<2000x1xi32>
    %convert_element_type3A_38 = arith.sitofp %convert_element_type3A : vector<2000x1xi32> to vector<2000x1xf32>
    %mul3A_39 = vector.broadcast %convert_element_type3A_38 : vector<2000x1xf32> to vector<2000x256xf32>
    %mul3A_40 = arith.mulf %add3A_23, %mul3A_39 : vector<2000x256xf32>
    %add3A_41 = arith.addf %get3A_3, %mul3A_40 : vector<2000x256xf32>
    %get3A_42 = arith.constant 0 : index
    %get3A_43 = arith.constant 0 : index
    %get3A_44 = vector.load %arg9[%get3A_42, %get3A_43] : memref<256x1xf32, #tpu.memory_space<vmem>>, vector<256x1xf32>
    %dot_general3A_45 = arith.constant dense<0.000000e+00> : vector<2000x1xf32>
    %dot_general3A_46 = tpu.matmul %add3A_41, %get3A_44, %dot_general3A_45 {dimension_numbers = #tpu.dot_dimension_numbers<[1], [0], [0], [1], [0, 0, 1, 1], [], []>, transpose_lhs_hint = false} : vector<2000x256xf32>, vector<256x1xf32>, vector<2000x1xf32> -> vector<2000x1xf32>
    %get3A_47 = arith.constant 0 : index
    %get3A_48 = arith.constant 0 : index
    %get3A_49 = vector.load %arg10[%get3A_47, %get3A_48] : memref<1x1xf32, #tpu.memory_space<vmem>>, vector<1x1xf32>
    %add3A_50 = vector.broadcast %get3A_49 : vector<1x1xf32> to vector<2000x1xf32>
    %add3A_51 = arith.addf %dot_general3A_46, %add3A_50 : vector<2000x1xf32>
    %logistic3A_52 = arith.negf %add3A_51 : vector<2000x1xf32>
    %logistic3A_53 = math.exp %logistic3A_52 : vector<2000x1xf32>
    %logistic3A_54 = arith.constant 1.000000e+00 : f32
    %logistic3A_55 = vector.broadcast %logistic3A_54 : f32 to vector<2000x1xf32>
    %logistic3A_56 = arith.addf %logistic3A_55, %logistic3A_53 : vector<2000x1xf32>
    %logistic3A_57 = arith.divf %logistic3A_55, %logistic3A_56 : vector<2000x1xf32>
    %get3A_58 = arith.constant 0 : index
    %get3A_59 = arith.constant 0 : index
    %get3A_60 = arith.constant 0 : index
    %get3A_61 = vector.load %arg3[%get3A_58, %get3A_59, %get3A_60] : memref<1x2000x80xf32, #tpu.memory_space<vmem>>, vector<1x2000x80xf32>
    %get3A_62 = vector.shape_cast %get3A_61 : vector<1x2000x80xf32> to vector<2000x80xf32>
    %reduce_max3A = arith.constant dense<0xFF800000> : vector<2000xf32>
    %reduce_max3A_63 = vector.multi_reduction <maximumf>, %get3A_62, %reduce_max3A [1] : vector<2000x80xf32> to vector<2000xf32>
    %broadcast_in_dim3A = vector.shape_cast %reduce_max3A_63 : vector<2000xf32> to vector<2000x1xf32>
    %mul3A_64 = arith.mulf %logistic3A_57, %convert_element_type3A_38 : vector<2000x1xf32>
    %add3A_65 = arith.constant 1.000000e+00 : f32
    %add3A_66 = vector.broadcast %add3A_65 : f32 to vector<2000x1xf32>
    %add3A_67 = arith.addf %add3A_66, %mul3A_64 : vector<2000x1xf32>
    %mul3A_68 = arith.mulf %broadcast_in_dim3A, %add3A_67 : vector<2000x1xf32>
    %swap3A = arith.constant 0 : index
    %swap3A_69 = arith.constant 0 : index
    %swap3A_70 = arith.constant 0 : index
    %swap3A_71 = vector.load %arg11[%swap3A, %swap3A_69, %swap3A_70] : memref<1x2000x1xf32, #tpu.memory_space<vmem>>, vector<1x2000x1xf32>
    %swap3A_72 = vector.shape_cast %swap3A_71 : vector<1x2000x1xf32> to vector<2000x1xf32>
    %swap3A_73 = vector.shape_cast %mul3A_68 : vector<2000x1xf32> to vector<1x2000x1xf32>
    tpu.vector_store %arg11[%swap3A, %swap3A_69, %swap3A_70], %swap3A_73 {strides = array<i32>} : memref<1x2000x1xf32, #tpu.memory_space<vmem>>, vector<1x2000x1xf32>,
    return
  }
  func.func @transform_0(%arg0: i32, %arg1: i32) -> (i32, i32, i32) {
    %c0_i32 = arith.constant 0 : i32
    %c0_i32_0 = arith.constant 0 : i32
    return %arg0, %arg1, %c0_i32 : i32, i32, i32
  }
  func.func @transform_1(%arg0: i32, %arg1: i32) -> (i32, i32, i32) {
    %c0_i32 = arith.constant 0 : i32
    %c0_i32_0 = arith.constant 0 : i32
    return %arg0, %arg1, %c0_i32 : i32, i32, i32
  }
  func.func @transform_2(%arg0: i32, %arg1: i32) -> (i32, i32, i32) {
    %c0_i32 = arith.constant 0 : i32
    %c0_i32_0 = arith.constant 0 : i32
    return %arg0, %arg1, %c0_i32 : i32, i32, i32
  }
  func.func @transform_3(%arg0: i32, %arg1: i32) -> (i32, i32) {
    %c0_i32 = arith.constant 0 : i32
    %c0_i32_0 = arith.constant 0 : i32
    %c0_i32_1 = arith.constant 0 : i32
    return %c0_i32, %c0_i32_0 : i32, i32
  }
  func.func @transform_4(%arg0: i32, %arg1: i32) -> (i32, i32) {
    %c0_i32 = arith.constant 0 : i32
    %c0_i32_0 = arith.constant 0 : i32
    %c0_i32_1 = arith.constant 0 : i32
    return %c0_i32, %c0_i32_0 : i32, i32
  }
  func.func @transform_5(%arg0: i32, %arg1: i32) -> (i32, i32) {
    %c0_i32 = arith.constant 0 : i32
    %c0_i32_0 = arith.constant 0 : i32
    %c0_i32_1 = arith.constant 0 : i32
    return %c0_i32, %c0_i32_0 : i32, i32
  }
  func.func @transform_6(%arg0: i32, %arg1: i32) -> (i32, i32) {
    %c0_i32 = arith.constant 0 : i32
    %c0_i32_0 = arith.constant 0 : i32
    %c0_i32_1 = arith.constant 0 : i32
    return %c0_i32, %c0_i32_0 : i32, i32
  }
  func.func @transform_7(%arg0: i32, %arg1: i32) -> (i32, i32) {
    %c0_i32 = arith.constant 0 : i32
    %c0_i32_0 = arith.constant 0 : i32
    %c0_i32_1 = arith.constant 0 : i32
    return %c0_i32, %c0_i32_0 : i32, i32
  }
  func.func @transform_8(%arg0: i32, %arg1: i32) -> (i32, i32) {
    %c0_i32 = arith.constant 0 : i32
    %c0_i32_0 = arith.constant 0 : i32
    %c0_i32_1 = arith.constant 0 : i32
    return %c0_i32, %c0_i32_0 : i32, i32
  }
  func.func @transform_9(%arg0: i32, %arg1: i32) -> (i32, i32, i32) {
    %c0_i32 = arith.constant 0 : i32
    %c0_i32_0 = arith.constant 0 : i32
    return %arg0, %arg1, %c0_i32 : i32, i32, i32
  }
}

module attributes {stable_mosaic.version = 14 : i64} {
  func.func @_select_kernel(%arg0: i32, %arg1: memref<1x160x128xf32, #tpu.memory_space<vmem>>, %arg2: memref<1x1x384xi32, #tpu.memory_space<vmem>>, %arg3: memref<160x128xf32, #tpu.memory_space<vmem>>, %arg4: memref<160x128xf32, #tpu.memory_space<vmem>>, %arg5: memref<160x128xf32, #tpu.memory_space<vmem>>, %arg6: memref<3x384xf32, #tpu.memory_space<vmem>>) attributes {dimension_semantics = [#tpu.dimension_semantics<parallel>], iteration_bounds = array<i64: 4>, scalar_prefetch = 0 : i64, scratch_operands = 4 : i64, tpu.core_type = #tpu.core_type<tc>, window_params = [{transform_indices = @transform_0, window_bounds = array<i64: 1, 160, 128>}, {transform_indices = @transform_1, window_bounds = array<i64: 1, 1, 384>}]} {
    %get3A = arith.constant 0 : index
    %get3A_0 = arith.constant 0 : index
    %get3A_1 = arith.constant 0 : index
    %get3A_2 = vector.load %arg1[%get3A, %get3A_0, %get3A_1] : memref<1x160x128xf32, #tpu.memory_space<vmem>>, vector<1x160x128xf32>
    %get3A_3 = vector.shape_cast %get3A_2 : vector<1x160x128xf32> to vector<160x128xf32>
    %max3A = arith.constant -3.000000e+38 : f32
    %max3A_4 = vector.broadcast %max3A : f32 to vector<160x128xf32>
    %max3A_5 = arith.maximumf %get3A_3, %max3A_4 : vector<160x128xf32>
    %bitcast_convert_type3A = tpu.bitcast %max3A_5 : vector<160x128xf32> -> vector<160x128xi32>
    %shift_right_arithmetic3A = arith.constant 31 : i32
    %shift_right_arithmetic3A_6 = vector.broadcast %shift_right_arithmetic3A : i32 to vector<160x128xi32>
    %shift_right_arithmetic3A_7 = arith.shrsi %bitcast_convert_type3A, %shift_right_arithmetic3A_6 : vector<160x128xi32>
    %and3A = arith.constant 2147483647 : i32
    %and3A_8 = vector.broadcast %and3A : i32 to vector<160x128xi32>
    %and3A_9 = arith.andi %shift_right_arithmetic3A_7, %and3A_8 : vector<160x128xi32>
    %xor3A = arith.xori %bitcast_convert_type3A, %and3A_9 : vector<160x128xi32>
    %ge3A = arith.constant 0 : i32
    %ge3A_10 = vector.broadcast %ge3A : i32 to vector<160x128xi32>
    %ge3A_11 = arith.cmpi sge, %xor3A, %ge3A_10 : vector<160x128xi32>
    %convert_element_type3A = arith.extui %ge3A_11 : vector<160x128xi1> to vector<160x128xi32>
    %reduce_sum3A = vector.shape_cast %convert_element_type3A : vector<160x128xi32> to vector<1x160x128xi32>
    %reduce_sum3A_12 = arith.constant dense<0> : vector<1xi32>
    %reduce_sum3A_13 = vector.multi_reduction <add>, %reduce_sum3A, %reduce_sum3A_12 [1, 2] : vector<1x160x128xi32> to vector<1xi32>
    %reduce_sum3A_14 = vector.shape_cast %reduce_sum3A_13 : vector<1xi32> to vector<1x1x1xi32>
    %reduce_sum3A_15 = vector.extract %reduce_sum3A_14[0, 0, 0] : i32 from vector<1x1x1xi32>
    %ge3A_16 = arith.constant 300 : i32
    %ge3A_17 = arith.cmpi sge, %reduce_sum3A_15, %ge3A_16 : i32
    %jit3A = arith.constant 0 : i32
    %jit3A_18 = arith.constant -2147483648 : i32
    %select_n3A = arith.select %ge3A_17, %jit3A, %jit3A_18 : i32
    %add3A = arith.constant 1073741824 : i32
    %add3A_19 = arith.addi %select_n3A, %add3A : i32
    %ge3A_20 = vector.broadcast %add3A_19 : i32 to vector<160x128xi32>
    %ge3A_21 = arith.cmpi sge, %xor3A, %ge3A_20 : vector<160x128xi32>
    %convert_element_type3A_22 = arith.extui %ge3A_21 : vector<160x128xi1> to vector<160x128xi32>
    %reduce_sum3A_23 = vector.shape_cast %convert_element_type3A_22 : vector<160x128xi32> to vector<1x160x128xi32>
    %reduce_sum3A_24 = arith.constant dense<0> : vector<1xi32>
    %reduce_sum3A_25 = vector.multi_reduction <add>, %reduce_sum3A_23, %reduce_sum3A_24 [1, 2] : vector<1x160x128xi32> to vector<1xi32>
    %reduce_sum3A_26 = vector.shape_cast %reduce_sum3A_25 : vector<1xi32> to vector<1x1x1xi32>
    %reduce_sum3A_27 = vector.extract %reduce_sum3A_26[0, 0, 0] : i32 from vector<1x1x1xi32>
    %ge3A_28 = arith.constant 300 : i32
    %ge3A_29 = arith.cmpi sge, %reduce_sum3A_27, %ge3A_28 : i32
    %select_n3A_30 = arith.select %ge3A_29, %add3A_19, %select_n3A : i32
    %add3A_31 = arith.constant 536870912 : i32
    %add3A_32 = arith.addi %select_n3A_30, %add3A_31 : i32
    %ge3A_33 = vector.broadcast %add3A_32 : i32 to vector<160x128xi32>
    %ge3A_34 = arith.cmpi sge, %xor3A, %ge3A_33 : vector<160x128xi32>
    %convert_element_type3A_35 = arith.extui %ge3A_34 : vector<160x128xi1> to vector<160x128xi32>
    %reduce_sum3A_36 = vector.shape_cast %convert_element_type3A_35 : vector<160x128xi32> to vector<1x160x128xi32>
    %reduce_sum3A_37 = arith.constant dense<0> : vector<1xi32>
    %reduce_sum3A_38 = vector.multi_reduction <add>, %reduce_sum3A_36, %reduce_sum3A_37 [1, 2] : vector<1x160x128xi32> to vector<1xi32>
    %reduce_sum3A_39 = vector.shape_cast %reduce_sum3A_38 : vector<1xi32> to vector<1x1x1xi32>
    %reduce_sum3A_40 = vector.extract %reduce_sum3A_39[0, 0, 0] : i32 from vector<1x1x1xi32>
    %ge3A_41 = arith.constant 300 : i32
    %ge3A_42 = arith.cmpi sge, %reduce_sum3A_40, %ge3A_41 : i32
    %select_n3A_43 = arith.select %ge3A_42, %add3A_32, %select_n3A_30 : i32
    %add3A_44 = arith.constant 268435456 : i32
    %add3A_45 = arith.addi %select_n3A_43, %add3A_44 : i32
    %ge3A_46 = vector.broadcast %add3A_45 : i32 to vector<160x128xi32>
    %ge3A_47 = arith.cmpi sge, %xor3A, %ge3A_46 : vector<160x128xi32>
    %convert_element_type3A_48 = arith.extui %ge3A_47 : vector<160x128xi1> to vector<160x128xi32>
    %reduce_sum3A_49 = vector.shape_cast %convert_element_type3A_48 : vector<160x128xi32> to vector<1x160x128xi32>
    %reduce_sum3A_50 = arith.constant dense<0> : vector<1xi32>
    %reduce_sum3A_51 = vector.multi_reduction <add>, %reduce_sum3A_49, %reduce_sum3A_50 [1, 2] : vector<1x160x128xi32> to vector<1xi32>
    %reduce_sum3A_52 = vector.shape_cast %reduce_sum3A_51 : vector<1xi32> to vector<1x1x1xi32>
    %reduce_sum3A_53 = vector.extract %reduce_sum3A_52[0, 0, 0] : i32 from vector<1x1x1xi32>
    %ge3A_54 = arith.constant 300 : i32
    %ge3A_55 = arith.cmpi sge, %reduce_sum3A_53, %ge3A_54 : i32
    %select_n3A_56 = arith.select %ge3A_55, %add3A_45, %select_n3A_43 : i32
    %add3A_57 = arith.constant 134217728 : i32
    %add3A_58 = arith.addi %select_n3A_56, %add3A_57 : i32
    %ge3A_59 = vector.broadcast %add3A_58 : i32 to vector<160x128xi32>
    %ge3A_60 = arith.cmpi sge, %xor3A, %ge3A_59 : vector<160x128xi32>
    %convert_element_type3A_61 = arith.extui %ge3A_60 : vector<160x128xi1> to vector<160x128xi32>
    %reduce_sum3A_62 = vector.shape_cast %convert_element_type3A_61 : vector<160x128xi32> to vector<1x160x128xi32>
    %reduce_sum3A_63 = arith.constant dense<0> : vector<1xi32>
    %reduce_sum3A_64 = vector.multi_reduction <add>, %reduce_sum3A_62, %reduce_sum3A_63 [1, 2] : vector<1x160x128xi32> to vector<1xi32>
    %reduce_sum3A_65 = vector.shape_cast %reduce_sum3A_64 : vector<1xi32> to vector<1x1x1xi32>
    %reduce_sum3A_66 = vector.extract %reduce_sum3A_65[0, 0, 0] : i32 from vector<1x1x1xi32>
    %ge3A_67 = arith.constant 300 : i32
    %ge3A_68 = arith.cmpi sge, %reduce_sum3A_66, %ge3A_67 : i32
    %select_n3A_69 = arith.select %ge3A_68, %add3A_58, %select_n3A_56 : i32
    %add3A_70 = arith.constant 67108864 : i32
    %add3A_71 = arith.addi %select_n3A_69, %add3A_70 : i32
    %ge3A_72 = vector.broadcast %add3A_71 : i32 to vector<160x128xi32>
    %ge3A_73 = arith.cmpi sge, %xor3A, %ge3A_72 : vector<160x128xi32>
    %convert_element_type3A_74 = arith.extui %ge3A_73 : vector<160x128xi1> to vector<160x128xi32>
    %reduce_sum3A_75 = vector.shape_cast %convert_element_type3A_74 : vector<160x128xi32> to vector<1x160x128xi32>
    %reduce_sum3A_76 = arith.constant dense<0> : vector<1xi32>
    %reduce_sum3A_77 = vector.multi_reduction <add>, %reduce_sum3A_75, %reduce_sum3A_76 [1, 2] : vector<1x160x128xi32> to vector<1xi32>
    %reduce_sum3A_78 = vector.shape_cast %reduce_sum3A_77 : vector<1xi32> to vector<1x1x1xi32>
    %reduce_sum3A_79 = vector.extract %reduce_sum3A_78[0, 0, 0] : i32 from vector<1x1x1xi32>
    %ge3A_80 = arith.constant 300 : i32
    %ge3A_81 = arith.cmpi sge, %reduce_sum3A_79, %ge3A_80 : i32
    %select_n3A_82 = arith.select %ge3A_81, %add3A_71, %select_n3A_69 : i32
    %add3A_83 = arith.constant 33554432 : i32
    %add3A_84 = arith.addi %select_n3A_82, %add3A_83 : i32
    %ge3A_85 = vector.broadcast %add3A_84 : i32 to vector<160x128xi32>
    %ge3A_86 = arith.cmpi sge, %xor3A, %ge3A_85 : vector<160x128xi32>
    %convert_element_type3A_87 = arith.extui %ge3A_86 : vector<160x128xi1> to vector<160x128xi32>
    %reduce_sum3A_88 = vector.shape_cast %convert_element_type3A_87 : vector<160x128xi32> to vector<1x160x128xi32>
    %reduce_sum3A_89 = arith.constant dense<0> : vector<1xi32>
    %reduce_sum3A_90 = vector.multi_reduction <add>, %reduce_sum3A_88, %reduce_sum3A_89 [1, 2] : vector<1x160x128xi32> to vector<1xi32>
    %reduce_sum3A_91 = vector.shape_cast %reduce_sum3A_90 : vector<1xi32> to vector<1x1x1xi32>
    %reduce_sum3A_92 = vector.extract %reduce_sum3A_91[0, 0, 0] : i32 from vector<1x1x1xi32>
    %ge3A_93 = arith.constant 300 : i32
    %ge3A_94 = arith.cmpi sge, %reduce_sum3A_92, %ge3A_93 : i32
    %select_n3A_95 = arith.select %ge3A_94, %add3A_84, %select_n3A_82 : i32
    %add3A_96 = arith.constant 16777216 : i32
    %add3A_97 = arith.addi %select_n3A_95, %add3A_96 : i32
    %ge3A_98 = vector.broadcast %add3A_97 : i32 to vector<160x128xi32>
    %ge3A_99 = arith.cmpi sge, %xor3A, %ge3A_98 : vector<160x128xi32>
    %convert_element_type3A_100 = arith.extui %ge3A_99 : vector<160x128xi1> to vector<160x128xi32>
    %reduce_sum3A_101 = vector.shape_cast %convert_element_type3A_100 : vector<160x128xi32> to vector<1x160x128xi32>
    %reduce_sum3A_102 = arith.constant dense<0> : vector<1xi32>
    %reduce_sum3A_103 = vector.multi_reduction <add>, %reduce_sum3A_101, %reduce_sum3A_102 [1, 2] : vector<1x160x128xi32> to vector<1xi32>
    %reduce_sum3A_104 = vector.shape_cast %reduce_sum3A_103 : vector<1xi32> to vector<1x1x1xi32>
    %reduce_sum3A_105 = vector.extract %reduce_sum3A_104[0, 0, 0] : i32 from vector<1x1x1xi32>
    %ge3A_106 = arith.constant 300 : i32
    %ge3A_107 = arith.cmpi sge, %reduce_sum3A_105, %ge3A_106 : i32
    %select_n3A_108 = arith.select %ge3A_107, %add3A_97, %select_n3A_95 : i32
    %add3A_109 = arith.constant 8388608 : i32
    %add3A_110 = arith.addi %select_n3A_108, %add3A_109 : i32
    %ge3A_111 = vector.broadcast %add3A_110 : i32 to vector<160x128xi32>
    %ge3A_112 = arith.cmpi sge, %xor3A, %ge3A_111 : vector<160x128xi32>
    %convert_element_type3A_113 = arith.extui %ge3A_112 : vector<160x128xi1> to vector<160x128xi32>
    %reduce_sum3A_114 = vector.shape_cast %convert_element_type3A_113 : vector<160x128xi32> to vector<1x160x128xi32>
    %reduce_sum3A_115 = arith.constant dense<0> : vector<1xi32>
    %reduce_sum3A_116 = vector.multi_reduction <add>, %reduce_sum3A_114, %reduce_sum3A_115 [1, 2] : vector<1x160x128xi32> to vector<1xi32>
    %reduce_sum3A_117 = vector.shape_cast %reduce_sum3A_116 : vector<1xi32> to vector<1x1x1xi32>
    %reduce_sum3A_118 = vector.extract %reduce_sum3A_117[0, 0, 0] : i32 from vector<1x1x1xi32>
    %ge3A_119 = arith.constant 300 : i32
    %ge3A_120 = arith.cmpi sge, %reduce_sum3A_118, %ge3A_119 : i32
    %select_n3A_121 = arith.select %ge3A_120, %add3A_110, %select_n3A_108 : i32
    %add3A_122 = arith.constant 4194304 : i32
    %add3A_123 = arith.addi %select_n3A_121, %add3A_122 : i32
    %ge3A_124 = vector.broadcast %add3A_123 : i32 to vector<160x128xi32>
    %ge3A_125 = arith.cmpi sge, %xor3A, %ge3A_124 : vector<160x128xi32>
    %convert_element_type3A_126 = arith.extui %ge3A_125 : vector<160x128xi1> to vector<160x128xi32>
    %reduce_sum3A_127 = vector.shape_cast %convert_element_type3A_126 : vector<160x128xi32> to vector<1x160x128xi32>
    %reduce_sum3A_128 = arith.constant dense<0> : vector<1xi32>
    %reduce_sum3A_129 = vector.multi_reduction <add>, %reduce_sum3A_127, %reduce_sum3A_128 [1, 2] : vector<1x160x128xi32> to vector<1xi32>
    %reduce_sum3A_130 = vector.shape_cast %reduce_sum3A_129 : vector<1xi32> to vector<1x1x1xi32>
    %reduce_sum3A_131 = vector.extract %reduce_sum3A_130[0, 0, 0] : i32 from vector<1x1x1xi32>
    %ge3A_132 = arith.constant 300 : i32
    %ge3A_133 = arith.cmpi sge, %reduce_sum3A_131, %ge3A_132 : i32
    %select_n3A_134 = arith.select %ge3A_133, %add3A_123, %select_n3A_121 : i32
    %add3A_135 = arith.constant 2097152 : i32
    %add3A_136 = arith.addi %select_n3A_134, %add3A_135 : i32
    %ge3A_137 = vector.broadcast %add3A_136 : i32 to vector<160x128xi32>
    %ge3A_138 = arith.cmpi sge, %xor3A, %ge3A_137 : vector<160x128xi32>
    %convert_element_type3A_139 = arith.extui %ge3A_138 : vector<160x128xi1> to vector<160x128xi32>
    %reduce_sum3A_140 = vector.shape_cast %convert_element_type3A_139 : vector<160x128xi32> to vector<1x160x128xi32>
    %reduce_sum3A_141 = arith.constant dense<0> : vector<1xi32>
    %reduce_sum3A_142 = vector.multi_reduction <add>, %reduce_sum3A_140, %reduce_sum3A_141 [1, 2] : vector<1x160x128xi32> to vector<1xi32>
    %reduce_sum3A_143 = vector.shape_cast %reduce_sum3A_142 : vector<1xi32> to vector<1x1x1xi32>
    %reduce_sum3A_144 = vector.extract %reduce_sum3A_143[0, 0, 0] : i32 from vector<1x1x1xi32>
    %ge3A_145 = arith.constant 300 : i32
    %ge3A_146 = arith.cmpi sge, %reduce_sum3A_144, %ge3A_145 : i32
    %select_n3A_147 = arith.select %ge3A_146, %add3A_136, %select_n3A_134 : i32
    %add3A_148 = arith.constant 1048576 : i32
    %add3A_149 = arith.addi %select_n3A_147, %add3A_148 : i32
    %ge3A_150 = vector.broadcast %add3A_149 : i32 to vector<160x128xi32>
    %ge3A_151 = arith.cmpi sge, %xor3A, %ge3A_150 : vector<160x128xi32>
    %convert_element_type3A_152 = arith.extui %ge3A_151 : vector<160x128xi1> to vector<160x128xi32>
    %reduce_sum3A_153 = vector.shape_cast %convert_element_type3A_152 : vector<160x128xi32> to vector<1x160x128xi32>
    %reduce_sum3A_154 = arith.constant dense<0> : vector<1xi32>
    %reduce_sum3A_155 = vector.multi_reduction <add>, %reduce_sum3A_153, %reduce_sum3A_154 [1, 2] : vector<1x160x128xi32> to vector<1xi32>
    %reduce_sum3A_156 = vector.shape_cast %reduce_sum3A_155 : vector<1xi32> to vector<1x1x1xi32>
    %reduce_sum3A_157 = vector.extract %reduce_sum3A_156[0, 0, 0] : i32 from vector<1x1x1xi32>
    %ge3A_158 = arith.constant 300 : i32
    %ge3A_159 = arith.cmpi sge, %reduce_sum3A_157, %ge3A_158 : i32
    %select_n3A_160 = arith.select %ge3A_159, %add3A_149, %select_n3A_147 : i32
    %add3A_161 = arith.constant 524288 : i32
    %add3A_162 = arith.addi %select_n3A_160, %add3A_161 : i32
    %ge3A_163 = vector.broadcast %add3A_162 : i32 to vector<160x128xi32>
    %ge3A_164 = arith.cmpi sge, %xor3A, %ge3A_163 : vector<160x128xi32>
    %convert_element_type3A_165 = arith.extui %ge3A_164 : vector<160x128xi1> to vector<160x128xi32>
    %reduce_sum3A_166 = vector.shape_cast %convert_element_type3A_165 : vector<160x128xi32> to vector<1x160x128xi32>
    %reduce_sum3A_167 = arith.constant dense<0> : vector<1xi32>
    %reduce_sum3A_168 = vector.multi_reduction <add>, %reduce_sum3A_166, %reduce_sum3A_167 [1, 2] : vector<1x160x128xi32> to vector<1xi32>
    %reduce_sum3A_169 = vector.shape_cast %reduce_sum3A_168 : vector<1xi32> to vector<1x1x1xi32>
    %reduce_sum3A_170 = vector.extract %reduce_sum3A_169[0, 0, 0] : i32 from vector<1x1x1xi32>
    %ge3A_171 = arith.constant 300 : i32
    %ge3A_172 = arith.cmpi sge, %reduce_sum3A_170, %ge3A_171 : i32
    %select_n3A_173 = arith.select %ge3A_172, %add3A_162, %select_n3A_160 : i32
    %add3A_174 = arith.constant 262144 : i32
    %add3A_175 = arith.addi %select_n3A_173, %add3A_174 : i32
    %ge3A_176 = vector.broadcast %add3A_175 : i32 to vector<160x128xi32>
    %ge3A_177 = arith.cmpi sge, %xor3A, %ge3A_176 : vector<160x128xi32>
    %convert_element_type3A_178 = arith.extui %ge3A_177 : vector<160x128xi1> to vector<160x128xi32>
    %reduce_sum3A_179 = vector.shape_cast %convert_element_type3A_178 : vector<160x128xi32> to vector<1x160x128xi32>
    %reduce_sum3A_180 = arith.constant dense<0> : vector<1xi32>
    %reduce_sum3A_181 = vector.multi_reduction <add>, %reduce_sum3A_179, %reduce_sum3A_180 [1, 2] : vector<1x160x128xi32> to vector<1xi32>
    %reduce_sum3A_182 = vector.shape_cast %reduce_sum3A_181 : vector<1xi32> to vector<1x1x1xi32>
    %reduce_sum3A_183 = vector.extract %reduce_sum3A_182[0, 0, 0] : i32 from vector<1x1x1xi32>
    %ge3A_184 = arith.constant 300 : i32
    %ge3A_185 = arith.cmpi sge, %reduce_sum3A_183, %ge3A_184 : i32
    %select_n3A_186 = arith.select %ge3A_185, %add3A_175, %select_n3A_173 : i32
    %add3A_187 = arith.constant 131072 : i32
    %add3A_188 = arith.addi %select_n3A_186, %add3A_187 : i32
    %ge3A_189 = vector.broadcast %add3A_188 : i32 to vector<160x128xi32>
    %ge3A_190 = arith.cmpi sge, %xor3A, %ge3A_189 : vector<160x128xi32>
    %convert_element_type3A_191 = arith.extui %ge3A_190 : vector<160x128xi1> to vector<160x128xi32>
    %reduce_sum3A_192 = vector.shape_cast %convert_element_type3A_191 : vector<160x128xi32> to vector<1x160x128xi32>
    %reduce_sum3A_193 = arith.constant dense<0> : vector<1xi32>
    %reduce_sum3A_194 = vector.multi_reduction <add>, %reduce_sum3A_192, %reduce_sum3A_193 [1, 2] : vector<1x160x128xi32> to vector<1xi32>
    %reduce_sum3A_195 = vector.shape_cast %reduce_sum3A_194 : vector<1xi32> to vector<1x1x1xi32>
    %reduce_sum3A_196 = vector.extract %reduce_sum3A_195[0, 0, 0] : i32 from vector<1x1x1xi32>
    %ge3A_197 = arith.constant 300 : i32
    %ge3A_198 = arith.cmpi sge, %reduce_sum3A_196, %ge3A_197 : i32
    %select_n3A_199 = arith.select %ge3A_198, %add3A_188, %select_n3A_186 : i32
    %add3A_200 = arith.constant 65536 : i32
    %add3A_201 = arith.addi %select_n3A_199, %add3A_200 : i32
    %ge3A_202 = vector.broadcast %add3A_201 : i32 to vector<160x128xi32>
    %ge3A_203 = arith.cmpi sge, %xor3A, %ge3A_202 : vector<160x128xi32>
    %convert_element_type3A_204 = arith.extui %ge3A_203 : vector<160x128xi1> to vector<160x128xi32>
    %reduce_sum3A_205 = vector.shape_cast %convert_element_type3A_204 : vector<160x128xi32> to vector<1x160x128xi32>
    %reduce_sum3A_206 = arith.constant dense<0> : vector<1xi32>
    %reduce_sum3A_207 = vector.multi_reduction <add>, %reduce_sum3A_205, %reduce_sum3A_206 [1, 2] : vector<1x160x128xi32> to vector<1xi32>
    %reduce_sum3A_208 = vector.shape_cast %reduce_sum3A_207 : vector<1xi32> to vector<1x1x1xi32>
    %reduce_sum3A_209 = vector.extract %reduce_sum3A_208[0, 0, 0] : i32 from vector<1x1x1xi32>
    %ge3A_210 = arith.constant 300 : i32
    %ge3A_211 = arith.cmpi sge, %reduce_sum3A_209, %ge3A_210 : i32
    %select_n3A_212 = arith.select %ge3A_211, %add3A_201, %select_n3A_199 : i32
    %add3A_213 = arith.constant 32768 : i32
    %add3A_214 = arith.addi %select_n3A_212, %add3A_213 : i32
    %ge3A_215 = vector.broadcast %add3A_214 : i32 to vector<160x128xi32>
    %ge3A_216 = arith.cmpi sge, %xor3A, %ge3A_215 : vector<160x128xi32>
    %convert_element_type3A_217 = arith.extui %ge3A_216 : vector<160x128xi1> to vector<160x128xi32>
    %reduce_sum3A_218 = vector.shape_cast %convert_element_type3A_217 : vector<160x128xi32> to vector<1x160x128xi32>
    %reduce_sum3A_219 = arith.constant dense<0> : vector<1xi32>
    %reduce_sum3A_220 = vector.multi_reduction <add>, %reduce_sum3A_218, %reduce_sum3A_219 [1, 2] : vector<1x160x128xi32> to vector<1xi32>
    %reduce_sum3A_221 = vector.shape_cast %reduce_sum3A_220 : vector<1xi32> to vector<1x1x1xi32>
    %reduce_sum3A_222 = vector.extract %reduce_sum3A_221[0, 0, 0] : i32 from vector<1x1x1xi32>
    %ge3A_223 = arith.constant 300 : i32
    %ge3A_224 = arith.cmpi sge, %reduce_sum3A_222, %ge3A_223 : i32
    %select_n3A_225 = arith.select %ge3A_224, %add3A_214, %select_n3A_212 : i32
    %add3A_226 = arith.constant 16384 : i32
    %add3A_227 = arith.addi %select_n3A_225, %add3A_226 : i32
    %ge3A_228 = vector.broadcast %add3A_227 : i32 to vector<160x128xi32>
    %ge3A_229 = arith.cmpi sge, %xor3A, %ge3A_228 : vector<160x128xi32>
    %convert_element_type3A_230 = arith.extui %ge3A_229 : vector<160x128xi1> to vector<160x128xi32>
    %reduce_sum3A_231 = vector.shape_cast %convert_element_type3A_230 : vector<160x128xi32> to vector<1x160x128xi32>
    %reduce_sum3A_232 = arith.constant dense<0> : vector<1xi32>
    %reduce_sum3A_233 = vector.multi_reduction <add>, %reduce_sum3A_231, %reduce_sum3A_232 [1, 2] : vector<1x160x128xi32> to vector<1xi32>
    %reduce_sum3A_234 = vector.shape_cast %reduce_sum3A_233 : vector<1xi32> to vector<1x1x1xi32>
    %reduce_sum3A_235 = vector.extract %reduce_sum3A_234[0, 0, 0] : i32 from vector<1x1x1xi32>
    %ge3A_236 = arith.constant 300 : i32
    %ge3A_237 = arith.cmpi sge, %reduce_sum3A_235, %ge3A_236 : i32
    %select_n3A_238 = arith.select %ge3A_237, %add3A_227, %select_n3A_225 : i32
    %add3A_239 = arith.constant 8192 : i32
    %add3A_240 = arith.addi %select_n3A_238, %add3A_239 : i32
    %ge3A_241 = vector.broadcast %add3A_240 : i32 to vector<160x128xi32>
    %ge3A_242 = arith.cmpi sge, %xor3A, %ge3A_241 : vector<160x128xi32>
    %convert_element_type3A_243 = arith.extui %ge3A_242 : vector<160x128xi1> to vector<160x128xi32>
    %reduce_sum3A_244 = vector.shape_cast %convert_element_type3A_243 : vector<160x128xi32> to vector<1x160x128xi32>
    %reduce_sum3A_245 = arith.constant dense<0> : vector<1xi32>
    %reduce_sum3A_246 = vector.multi_reduction <add>, %reduce_sum3A_244, %reduce_sum3A_245 [1, 2] : vector<1x160x128xi32> to vector<1xi32>
    %reduce_sum3A_247 = vector.shape_cast %reduce_sum3A_246 : vector<1xi32> to vector<1x1x1xi32>
    %reduce_sum3A_248 = vector.extract %reduce_sum3A_247[0, 0, 0] : i32 from vector<1x1x1xi32>
    %ge3A_249 = arith.constant 300 : i32
    %ge3A_250 = arith.cmpi sge, %reduce_sum3A_248, %ge3A_249 : i32
    %select_n3A_251 = arith.select %ge3A_250, %add3A_240, %select_n3A_238 : i32
    %add3A_252 = arith.constant 4096 : i32
    %add3A_253 = arith.addi %select_n3A_251, %add3A_252 : i32
    %ge3A_254 = vector.broadcast %add3A_253 : i32 to vector<160x128xi32>
    %ge3A_255 = arith.cmpi sge, %xor3A, %ge3A_254 : vector<160x128xi32>
    %convert_element_type3A_256 = arith.extui %ge3A_255 : vector<160x128xi1> to vector<160x128xi32>
    %reduce_sum3A_257 = vector.shape_cast %convert_element_type3A_256 : vector<160x128xi32> to vector<1x160x128xi32>
    %reduce_sum3A_258 = arith.constant dense<0> : vector<1xi32>
    %reduce_sum3A_259 = vector.multi_reduction <add>, %reduce_sum3A_257, %reduce_sum3A_258 [1, 2] : vector<1x160x128xi32> to vector<1xi32>
    %reduce_sum3A_260 = vector.shape_cast %reduce_sum3A_259 : vector<1xi32> to vector<1x1x1xi32>
    %reduce_sum3A_261 = vector.extract %reduce_sum3A_260[0, 0, 0] : i32 from vector<1x1x1xi32>
    %ge3A_262 = arith.constant 300 : i32
    %ge3A_263 = arith.cmpi sge, %reduce_sum3A_261, %ge3A_262 : i32
    %select_n3A_264 = arith.select %ge3A_263, %add3A_253, %select_n3A_251 : i32
    %add3A_265 = arith.constant 2048 : i32
    %add3A_266 = arith.addi %select_n3A_264, %add3A_265 : i32
    %ge3A_267 = vector.broadcast %add3A_266 : i32 to vector<160x128xi32>
    %ge3A_268 = arith.cmpi sge, %xor3A, %ge3A_267 : vector<160x128xi32>
    %convert_element_type3A_269 = arith.extui %ge3A_268 : vector<160x128xi1> to vector<160x128xi32>
    %reduce_sum3A_270 = vector.shape_cast %convert_element_type3A_269 : vector<160x128xi32> to vector<1x160x128xi32>
    %reduce_sum3A_271 = arith.constant dense<0> : vector<1xi32>
    %reduce_sum3A_272 = vector.multi_reduction <add>, %reduce_sum3A_270, %reduce_sum3A_271 [1, 2] : vector<1x160x128xi32> to vector<1xi32>
    %reduce_sum3A_273 = vector.shape_cast %reduce_sum3A_272 : vector<1xi32> to vector<1x1x1xi32>
    %reduce_sum3A_274 = vector.extract %reduce_sum3A_273[0, 0, 0] : i32 from vector<1x1x1xi32>
    %ge3A_275 = arith.constant 300 : i32
    %ge3A_276 = arith.cmpi sge, %reduce_sum3A_274, %ge3A_275 : i32
    %select_n3A_277 = arith.select %ge3A_276, %add3A_266, %select_n3A_264 : i32
    %add3A_278 = arith.constant 1024 : i32
    %add3A_279 = arith.addi %select_n3A_277, %add3A_278 : i32
    %ge3A_280 = vector.broadcast %add3A_279 : i32 to vector<160x128xi32>
    %ge3A_281 = arith.cmpi sge, %xor3A, %ge3A_280 : vector<160x128xi32>
    %convert_element_type3A_282 = arith.extui %ge3A_281 : vector<160x128xi1> to vector<160x128xi32>
    %reduce_sum3A_283 = vector.shape_cast %convert_element_type3A_282 : vector<160x128xi32> to vector<1x160x128xi32>
    %reduce_sum3A_284 = arith.constant dense<0> : vector<1xi32>
    %reduce_sum3A_285 = vector.multi_reduction <add>, %reduce_sum3A_283, %reduce_sum3A_284 [1, 2] : vector<1x160x128xi32> to vector<1xi32>
    %reduce_sum3A_286 = vector.shape_cast %reduce_sum3A_285 : vector<1xi32> to vector<1x1x1xi32>
    %reduce_sum3A_287 = vector.extract %reduce_sum3A_286[0, 0, 0] : i32 from vector<1x1x1xi32>
    %ge3A_288 = arith.constant 300 : i32
    %ge3A_289 = arith.cmpi sge, %reduce_sum3A_287, %ge3A_288 : i32
    %select_n3A_290 = arith.select %ge3A_289, %add3A_279, %select_n3A_277 : i32
    %add3A_291 = arith.constant 512 : i32
    %add3A_292 = arith.addi %select_n3A_290, %add3A_291 : i32
    %ge3A_293 = vector.broadcast %add3A_292 : i32 to vector<160x128xi32>
    %ge3A_294 = arith.cmpi sge, %xor3A, %ge3A_293 : vector<160x128xi32>
    %convert_element_type3A_295 = arith.extui %ge3A_294 : vector<160x128xi1> to vector<160x128xi32>
    %reduce_sum3A_296 = vector.shape_cast %convert_element_type3A_295 : vector<160x128xi32> to vector<1x160x128xi32>
    %reduce_sum3A_297 = arith.constant dense<0> : vector<1xi32>
    %reduce_sum3A_298 = vector.multi_reduction <add>, %reduce_sum3A_296, %reduce_sum3A_297 [1, 2] : vector<1x160x128xi32> to vector<1xi32>
    %reduce_sum3A_299 = vector.shape_cast %reduce_sum3A_298 : vector<1xi32> to vector<1x1x1xi32>
    %reduce_sum3A_300 = vector.extract %reduce_sum3A_299[0, 0, 0] : i32 from vector<1x1x1xi32>
    %ge3A_301 = arith.constant 300 : i32
    %ge3A_302 = arith.cmpi sge, %reduce_sum3A_300, %ge3A_301 : i32
    %select_n3A_303 = arith.select %ge3A_302, %add3A_292, %select_n3A_290 : i32
    %add3A_304 = arith.constant 256 : i32
    %add3A_305 = arith.addi %select_n3A_303, %add3A_304 : i32
    %ge3A_306 = vector.broadcast %add3A_305 : i32 to vector<160x128xi32>
    %ge3A_307 = arith.cmpi sge, %xor3A, %ge3A_306 : vector<160x128xi32>
    %convert_element_type3A_308 = arith.extui %ge3A_307 : vector<160x128xi1> to vector<160x128xi32>
    %reduce_sum3A_309 = vector.shape_cast %convert_element_type3A_308 : vector<160x128xi32> to vector<1x160x128xi32>
    %reduce_sum3A_310 = arith.constant dense<0> : vector<1xi32>
    %reduce_sum3A_311 = vector.multi_reduction <add>, %reduce_sum3A_309, %reduce_sum3A_310 [1, 2] : vector<1x160x128xi32> to vector<1xi32>
    %reduce_sum3A_312 = vector.shape_cast %reduce_sum3A_311 : vector<1xi32> to vector<1x1x1xi32>
    %reduce_sum3A_313 = vector.extract %reduce_sum3A_312[0, 0, 0] : i32 from vector<1x1x1xi32>
    %ge3A_314 = arith.constant 300 : i32
    %ge3A_315 = arith.cmpi sge, %reduce_sum3A_313, %ge3A_314 : i32
    %select_n3A_316 = arith.select %ge3A_315, %add3A_305, %select_n3A_303 : i32
    %add3A_317 = arith.constant 128 : i32
    %add3A_318 = arith.addi %select_n3A_316, %add3A_317 : i32
    %ge3A_319 = vector.broadcast %add3A_318 : i32 to vector<160x128xi32>
    %ge3A_320 = arith.cmpi sge, %xor3A, %ge3A_319 : vector<160x128xi32>
    %convert_element_type3A_321 = arith.extui %ge3A_320 : vector<160x128xi1> to vector<160x128xi32>
    %reduce_sum3A_322 = vector.shape_cast %convert_element_type3A_321 : vector<160x128xi32> to vector<1x160x128xi32>
    %reduce_sum3A_323 = arith.constant dense<0> : vector<1xi32>
    %reduce_sum3A_324 = vector.multi_reduction <add>, %reduce_sum3A_322, %reduce_sum3A_323 [1, 2] : vector<1x160x128xi32> to vector<1xi32>
    %reduce_sum3A_325 = vector.shape_cast %reduce_sum3A_324 : vector<1xi32> to vector<1x1x1xi32>
    %reduce_sum3A_326 = vector.extract %reduce_sum3A_325[0, 0, 0] : i32 from vector<1x1x1xi32>
    %ge3A_327 = arith.constant 300 : i32
    %ge3A_328 = arith.cmpi sge, %reduce_sum3A_326, %ge3A_327 : i32
    %select_n3A_329 = arith.select %ge3A_328, %add3A_318, %select_n3A_316 : i32
    %add3A_330 = arith.constant 64 : i32
    %add3A_331 = arith.addi %select_n3A_329, %add3A_330 : i32
    %ge3A_332 = vector.broadcast %add3A_331 : i32 to vector<160x128xi32>
    %ge3A_333 = arith.cmpi sge, %xor3A, %ge3A_332 : vector<160x128xi32>
    %convert_element_type3A_334 = arith.extui %ge3A_333 : vector<160x128xi1> to vector<160x128xi32>
    %reduce_sum3A_335 = vector.shape_cast %convert_element_type3A_334 : vector<160x128xi32> to vector<1x160x128xi32>
    %reduce_sum3A_336 = arith.constant dense<0> : vector<1xi32>
    %reduce_sum3A_337 = vector.multi_reduction <add>, %reduce_sum3A_335, %reduce_sum3A_336 [1, 2] : vector<1x160x128xi32> to vector<1xi32>
    %reduce_sum3A_338 = vector.shape_cast %reduce_sum3A_337 : vector<1xi32> to vector<1x1x1xi32>
    %reduce_sum3A_339 = vector.extract %reduce_sum3A_338[0, 0, 0] : i32 from vector<1x1x1xi32>
    %ge3A_340 = arith.constant 300 : i32
    %ge3A_341 = arith.cmpi sge, %reduce_sum3A_339, %ge3A_340 : i32
    %select_n3A_342 = arith.select %ge3A_341, %add3A_331, %select_n3A_329 : i32
    %add3A_343 = arith.constant 32 : i32
    %add3A_344 = arith.addi %select_n3A_342, %add3A_343 : i32
    %ge3A_345 = vector.broadcast %add3A_344 : i32 to vector<160x128xi32>
    %ge3A_346 = arith.cmpi sge, %xor3A, %ge3A_345 : vector<160x128xi32>
    %convert_element_type3A_347 = arith.extui %ge3A_346 : vector<160x128xi1> to vector<160x128xi32>
    %reduce_sum3A_348 = vector.shape_cast %convert_element_type3A_347 : vector<160x128xi32> to vector<1x160x128xi32>
    %reduce_sum3A_349 = arith.constant dense<0> : vector<1xi32>
    %reduce_sum3A_350 = vector.multi_reduction <add>, %reduce_sum3A_348, %reduce_sum3A_349 [1, 2] : vector<1x160x128xi32> to vector<1xi32>
    %reduce_sum3A_351 = vector.shape_cast %reduce_sum3A_350 : vector<1xi32> to vector<1x1x1xi32>
    %reduce_sum3A_352 = vector.extract %reduce_sum3A_351[0, 0, 0] : i32 from vector<1x1x1xi32>
    %ge3A_353 = arith.constant 300 : i32
    %ge3A_354 = arith.cmpi sge, %reduce_sum3A_352, %ge3A_353 : i32
    %select_n3A_355 = arith.select %ge3A_354, %add3A_344, %select_n3A_342 : i32
    %add3A_356 = arith.constant 16 : i32
    %add3A_357 = arith.addi %select_n3A_355, %add3A_356 : i32
    %ge3A_358 = vector.broadcast %add3A_357 : i32 to vector<160x128xi32>
    %ge3A_359 = arith.cmpi sge, %xor3A, %ge3A_358 : vector<160x128xi32>
    %convert_element_type3A_360 = arith.extui %ge3A_359 : vector<160x128xi1> to vector<160x128xi32>
    %reduce_sum3A_361 = vector.shape_cast %convert_element_type3A_360 : vector<160x128xi32> to vector<1x160x128xi32>
    %reduce_sum3A_362 = arith.constant dense<0> : vector<1xi32>
    %reduce_sum3A_363 = vector.multi_reduction <add>, %reduce_sum3A_361, %reduce_sum3A_362 [1, 2] : vector<1x160x128xi32> to vector<1xi32>
    %reduce_sum3A_364 = vector.shape_cast %reduce_sum3A_363 : vector<1xi32> to vector<1x1x1xi32>
    %reduce_sum3A_365 = vector.extract %reduce_sum3A_364[0, 0, 0] : i32 from vector<1x1x1xi32>
    %ge3A_366 = arith.constant 300 : i32
    %ge3A_367 = arith.cmpi sge, %reduce_sum3A_365, %ge3A_366 : i32
    %select_n3A_368 = arith.select %ge3A_367, %add3A_357, %select_n3A_355 : i32
    %add3A_369 = arith.constant 8 : i32
    %add3A_370 = arith.addi %select_n3A_368, %add3A_369 : i32
    %ge3A_371 = vector.broadcast %add3A_370 : i32 to vector<160x128xi32>
    %ge3A_372 = arith.cmpi sge, %xor3A, %ge3A_371 : vector<160x128xi32>
    %convert_element_type3A_373 = arith.extui %ge3A_372 : vector<160x128xi1> to vector<160x128xi32>
    %reduce_sum3A_374 = vector.shape_cast %convert_element_type3A_373 : vector<160x128xi32> to vector<1x160x128xi32>
    %reduce_sum3A_375 = arith.constant dense<0> : vector<1xi32>
    %reduce_sum3A_376 = vector.multi_reduction <add>, %reduce_sum3A_374, %reduce_sum3A_375 [1, 2] : vector<1x160x128xi32> to vector<1xi32>
    %reduce_sum3A_377 = vector.shape_cast %reduce_sum3A_376 : vector<1xi32> to vector<1x1x1xi32>
    %reduce_sum3A_378 = vector.extract %reduce_sum3A_377[0, 0, 0] : i32 from vector<1x1x1xi32>
    %ge3A_379 = arith.constant 300 : i32
    %ge3A_380 = arith.cmpi sge, %reduce_sum3A_378, %ge3A_379 : i32
    %select_n3A_381 = arith.select %ge3A_380, %add3A_370, %select_n3A_368 : i32
    %add3A_382 = arith.constant 4 : i32
    %add3A_383 = arith.addi %select_n3A_381, %add3A_382 : i32
    %ge3A_384 = vector.broadcast %add3A_383 : i32 to vector<160x128xi32>
    %ge3A_385 = arith.cmpi sge, %xor3A, %ge3A_384 : vector<160x128xi32>
    %convert_element_type3A_386 = arith.extui %ge3A_385 : vector<160x128xi1> to vector<160x128xi32>
    %reduce_sum3A_387 = vector.shape_cast %convert_element_type3A_386 : vector<160x128xi32> to vector<1x160x128xi32>
    %reduce_sum3A_388 = arith.constant dense<0> : vector<1xi32>
    %reduce_sum3A_389 = vector.multi_reduction <add>, %reduce_sum3A_387, %reduce_sum3A_388 [1, 2] : vector<1x160x128xi32> to vector<1xi32>
    %reduce_sum3A_390 = vector.shape_cast %reduce_sum3A_389 : vector<1xi32> to vector<1x1x1xi32>
    %reduce_sum3A_391 = vector.extract %reduce_sum3A_390[0, 0, 0] : i32 from vector<1x1x1xi32>
    %ge3A_392 = arith.constant 300 : i32
    %ge3A_393 = arith.cmpi sge, %reduce_sum3A_391, %ge3A_392 : i32
    %select_n3A_394 = arith.select %ge3A_393, %add3A_383, %select_n3A_381 : i32
    %add3A_395 = arith.constant 2 : i32
    %add3A_396 = arith.addi %select_n3A_394, %add3A_395 : i32
    %ge3A_397 = vector.broadcast %add3A_396 : i32 to vector<160x128xi32>
    %ge3A_398 = arith.cmpi sge, %xor3A, %ge3A_397 : vector<160x128xi32>
    %convert_element_type3A_399 = arith.extui %ge3A_398 : vector<160x128xi1> to vector<160x128xi32>
    %reduce_sum3A_400 = vector.shape_cast %convert_element_type3A_399 : vector<160x128xi32> to vector<1x160x128xi32>
    %reduce_sum3A_401 = arith.constant dense<0> : vector<1xi32>
    %reduce_sum3A_402 = vector.multi_reduction <add>, %reduce_sum3A_400, %reduce_sum3A_401 [1, 2] : vector<1x160x128xi32> to vector<1xi32>
    %reduce_sum3A_403 = vector.shape_cast %reduce_sum3A_402 : vector<1xi32> to vector<1x1x1xi32>
    %reduce_sum3A_404 = vector.extract %reduce_sum3A_403[0, 0, 0] : i32 from vector<1x1x1xi32>
    %ge3A_405 = arith.constant 300 : i32
    %ge3A_406 = arith.cmpi sge, %reduce_sum3A_404, %ge3A_405 : i32
    %select_n3A_407 = arith.select %ge3A_406, %add3A_396, %select_n3A_394 : i32
    %add3A_408 = arith.constant 1 : i32
    %add3A_409 = arith.addi %select_n3A_407, %add3A_408 : i32
    %ge3A_410 = vector.broadcast %add3A_409 : i32 to vector<160x128xi32>
    %ge3A_411 = arith.cmpi sge, %xor3A, %ge3A_410 : vector<160x128xi32>
    %convert_element_type3A_412 = arith.extui %ge3A_411 : vector<160x128xi1> to vector<160x128xi32>
    %reduce_sum3A_413 = vector.shape_cast %convert_element_type3A_412 : vector<160x128xi32> to vector<1x160x128xi32>
    %reduce_sum3A_414 = arith.constant dense<0> : vector<1xi32>
    %reduce_sum3A_415 = vector.multi_reduction <add>, %reduce_sum3A_413, %reduce_sum3A_414 [1, 2] : vector<1x160x128xi32> to vector<1xi32>
    %reduce_sum3A_416 = vector.shape_cast %reduce_sum3A_415 : vector<1xi32> to vector<1x1x1xi32>
    %reduce_sum3A_417 = vector.extract %reduce_sum3A_416[0, 0, 0] : i32 from vector<1x1x1xi32>
    %ge3A_418 = arith.constant 300 : i32
    %ge3A_419 = arith.cmpi sge, %reduce_sum3A_417, %ge3A_418 : i32
    %select_n3A_420 = arith.select %ge3A_419, %add3A_409, %select_n3A_407 : i32
    %gt3A = vector.broadcast %select_n3A_420 : i32 to vector<160x128xi32>
    %gt3A_421 = arith.cmpi sgt, %xor3A, %gt3A : vector<160x128xi32>
    %convert_element_type3A_422 = arith.extui %gt3A_421 : vector<160x128xi1> to vector<160x128xi32>
    %reduce_sum3A_423 = vector.shape_cast %convert_element_type3A_422 : vector<160x128xi32> to vector<1x160x128xi32>
    %reduce_sum3A_424 = arith.constant dense<0> : vector<1xi32>
    %reduce_sum3A_425 = vector.multi_reduction <add>, %reduce_sum3A_423, %reduce_sum3A_424 [1, 2] : vector<1x160x128xi32> to vector<1xi32>
    %reduce_sum3A_426 = vector.shape_cast %reduce_sum3A_425 : vector<1xi32> to vector<1x1x1xi32>
    %reduce_sum3A_427 = vector.extract %reduce_sum3A_426[0, 0, 0] : i32 from vector<1x1x1xi32>
    %sub3A = arith.constant 300 : i32
    %sub3A_428 = arith.subi %sub3A, %reduce_sum3A_427 : i32
    %convert_element_type3A_429 = arith.sitofp %sub3A_428 : i32 to f32
    %iota3A = tpu.iota {dimensions = array<i32: 0>} : vector<128x128xi32>
    %iota3A_430 = tpu.iota {dimensions = array<i32: 1>} : vector<128x128xi32>
    %lt3A = arith.cmpi slt, %iota3A, %iota3A_430 : vector<128x128xi32>
    %convert_element_type3A_431 = arith.extui %lt3A : vector<128x128xi1> to vector<128x128xi32>
    %convert_element_type3A_432 = arith.sitofp %convert_element_type3A_431 : vector<128x128xi32> to vector<128x128xf32>
    %eq3A = arith.cmpi eq, %iota3A, %iota3A_430 : vector<128x128xi32>
    %convert_element_type3A_433 = arith.extui %eq3A : vector<128x128xi1> to vector<128x128xi32>
    %convert_element_type3A_434 = arith.sitofp %convert_element_type3A_433 : vector<128x128xi32> to vector<128x128xf32>
    %iota3A_435 = tpu.iota {dimensions = array<i32: 0>} : vector<160x160xi32>
    %iota3A_436 = tpu.iota {dimensions = array<i32: 1>} : vector<160x160xi32>
    %lt3A_437 = arith.cmpi slt, %iota3A_436, %iota3A_435 : vector<160x160xi32>
    %convert_element_type3A_438 = arith.extui %lt3A_437 : vector<160x160xi1> to vector<160x160xi32>
    %convert_element_type3A_439 = arith.sitofp %convert_element_type3A_438 : vector<160x160xi32> to vector<160x160xf32>
    %eq3A_440 = vector.broadcast %select_n3A_420 : i32 to vector<160x128xi32>
    %eq3A_441 = arith.cmpi eq, %xor3A, %eq3A_440 : vector<160x128xi32>
    %convert_element_type3A_442 = arith.extui %eq3A_441 : vector<160x128xi1> to vector<160x128xi32>
    %convert_element_type3A_443 = arith.sitofp %convert_element_type3A_442 : vector<160x128xi32> to vector<160x128xf32>
    %dot_general3A = arith.constant dense<0.000000e+00> : vector<160x128xf32>
    %dot_general3A_444 = tpu.matmul %convert_element_type3A_443, %convert_element_type3A_432, %dot_general3A {dimension_numbers = #tpu.dot_dimension_numbers<[1], [0], [0], [1], [0, 0, 1, 1], [], []>, precision = #tpu.contract_precision<fp32>, transpose_lhs_hint = false} : vector<160x128xf32>, vector<128x128xf32>, vector<160x128xf32> -> vector<160x128xf32>
    %reduce_sum3A_445 = arith.constant dense<0.000000e+00> : vector<160xf32>
    %reduce_sum3A_446 = vector.multi_reduction <add>, %convert_element_type3A_443, %reduce_sum3A_445 [1] : vector<160x128xf32> to vector<160xf32>
    %broadcast_in_dim3A = vector.shape_cast %reduce_sum3A_446 : vector<160xf32> to vector<160x1xf32>
    %dot_general3A_447 = arith.constant dense<0.000000e+00> : vector<160x1xf32>
    %dot_general3A_448 = tpu.matmul %convert_element_type3A_439, %broadcast_in_dim3A, %dot_general3A_447 {dimension_numbers = #tpu.dot_dimension_numbers<[1], [0], [0], [1], [0, 0, 1, 1], [], []>, precision = #tpu.contract_precision<fp32>, transpose_lhs_hint = false} : vector<160x160xf32>, vector<160x1xf32>, vector<160x1xf32> -> vector<160x1xf32>
    %add3A_449 = vector.broadcast %dot_general3A_448 : vector<160x1xf32> to vector<160x128xf32>
    %add3A_450 = arith.addf %dot_general3A_444, %add3A_449 : vector<160x128xf32>
    %lt3A_451 = vector.broadcast %convert_element_type3A_429 : f32 to vector<160x128xf32>
    %lt3A_452 = arith.cmpf olt, %add3A_450, %lt3A_451 : vector<160x128xf32>
    %and3A_453 = arith.andi %eq3A_441, %lt3A_452 : vector<160x128xi1>
    %or3A = arith.ori %gt3A_421, %and3A_453 : vector<160x128xi1>
    %convert_element_type3A_454 = arith.extui %or3A : vector<160x128xi1> to vector<160x128xi32>
    %convert_element_type3A_455 = arith.sitofp %convert_element_type3A_454 : vector<160x128xi32> to vector<160x128xf32>
    %dot_general3A_456 = arith.constant dense<0.000000e+00> : vector<160x128xf32>
    %dot_general3A_457 = tpu.matmul %convert_element_type3A_455, %convert_element_type3A_432, %dot_general3A_456 {dimension_numbers = #tpu.dot_dimension_numbers<[1], [0], [0], [1], [0, 0, 1, 1], [], []>, precision = #tpu.contract_precision<fp32>, transpose_lhs_hint = false} : vector<160x128xf32>, vector<128x128xf32>, vector<160x128xf32> -> vector<160x128xf32>
    %reduce_sum3A_458 = arith.constant dense<0.000000e+00> : vector<160xf32>
    %reduce_sum3A_459 = vector.multi_reduction <add>, %convert_element_type3A_455, %reduce_sum3A_458 [1] : vector<160x128xf32> to vector<160xf32>
    %broadcast_in_dim3A_460 = vector.shape_cast %reduce_sum3A_459 : vector<160xf32> to vector<160x1xf32>
    %dot_general3A_461 = arith.constant dense<0.000000e+00> : vector<160x1xf32>
    %dot_general3A_462 = tpu.matmul %convert_element_type3A_439, %broadcast_in_dim3A_460, %dot_general3A_461 {dimension_numbers = #tpu.dot_dimension_numbers<[1], [0], [0], [1], [0, 0, 1, 1], [], []>, precision = #tpu.contract_precision<fp32>, transpose_lhs_hint = false} : vector<160x160xf32>, vector<160x1xf32>, vector<160x1xf32> -> vector<160x1xf32>
    %add3A_463 = vector.broadcast %dot_general3A_462 : vector<160x1xf32> to vector<160x128xf32>
    %add3A_464 = arith.addf %dot_general3A_457, %add3A_463 : vector<160x128xf32>
    %jit3A_465 = arith.constant 3.000000e+06 : f32
    %broadcast_in_dim3A_466 = vector.broadcast %jit3A_465 : f32 to vector<160x128xf32>
    %select_n3A_467 = arith.select %or3A, %add3A_464, %broadcast_in_dim3A_466 : vector<160x128xi1>, vector<160x128xf32>
    %swap3A = arith.constant 0 : index
    %swap3A_468 = arith.constant 0 : index
    %swap3A_469 = vector.load %arg3[%swap3A, %swap3A_468] : memref<160x128xf32, #tpu.memory_space<vmem>>, vector<160x128xf32>
    tpu.vector_store %arg3[%swap3A, %swap3A_468], %select_n3A_467 {strides = array<i32>} : memref<160x128xf32, #tpu.memory_space<vmem>>, vector<160x128xf32>,
    %broadcast_in_dim3A_470 = arith.constant 0.000000e+00 : f32
    %broadcast_in_dim3A_471 = vector.broadcast %broadcast_in_dim3A_470 : f32 to vector<3x384xf32>
    %swap3A_472 = arith.constant 0 : index
    %swap3A_473 = arith.constant 0 : index
    %swap3A_474 = vector.load %arg6[%swap3A_472, %swap3A_473] : memref<3x384xf32, #tpu.memory_space<vmem>>, vector<3x384xf32>
    tpu.vector_store %arg6[%swap3A_472, %swap3A_473], %broadcast_in_dim3A_471 {strides = array<i32>} : memref<3x384xf32, #tpu.memory_space<vmem>>, vector<3x384xf32>,
    %iota3A_475 = tpu.iota {dimensions = array<i32: 1>} : vector<1x384xi32>
    %convert_element_type3A_476 = arith.sitofp %iota3A_475 : vector<1x384xi32> to vector<1x384xf32>
    %iota3A_477 = tpu.iota {dimensions = array<i32: 1>} : vector<1x128xi32>
    %convert_element_type3A_478 = arith.sitofp %iota3A_477 : vector<1x128xi32> to vector<1x128xf32>
    %shift_right_arithmetic3A_479 = arith.constant 16 : i32
    %shift_right_arithmetic3A_480 = vector.broadcast %shift_right_arithmetic3A_479 : i32 to vector<160x128xi32>
    %shift_right_arithmetic3A_481 = arith.shrsi %xor3A, %shift_right_arithmetic3A_480 : vector<160x128xi32>
    %convert_element_type3A_482 = arith.sitofp %shift_right_arithmetic3A_481 : vector<160x128xi32> to vector<160x128xf32>
    %swap3A_483 = arith.constant 0 : index
    %swap3A_484 = arith.constant 0 : index
    %swap3A_485 = vector.load %arg4[%swap3A_483, %swap3A_484] : memref<160x128xf32, #tpu.memory_space<vmem>>, vector<160x128xf32>
    tpu.vector_store %arg4[%swap3A_483, %swap3A_484], %convert_element_type3A_482 {strides = array<i32>} : memref<160x128xf32, #tpu.memory_space<vmem>>, vector<160x128xf32>,
    %and3A_486 = arith.constant 65535 : i32
    %and3A_487 = vector.broadcast %and3A_486 : i32 to vector<160x128xi32>
    %and3A_488 = arith.andi %xor3A, %and3A_487 : vector<160x128xi32>
    %convert_element_type3A_489 = arith.sitofp %and3A_488 : vector<160x128xi32> to vector<160x128xf32>
    %swap3A_490 = arith.constant 0 : index
    %swap3A_491 = arith.constant 0 : index
    %swap3A_492 = vector.load %arg5[%swap3A_490, %swap3A_491] : memref<160x128xf32, #tpu.memory_space<vmem>>, vector<160x128xf32>
    tpu.vector_store %arg5[%swap3A_490, %swap3A_491], %convert_element_type3A_489 {strides = array<i32>} : memref<160x128xf32, #tpu.memory_space<vmem>>, vector<160x128xf32>,
    %scan3A = arith.constant 0 : i32
    %scan3A_493 = arith.constant 10 : i32
    %scan3A_494 = arith.addi %scan3A, %scan3A_493 : i32
    %scan3A_495 = arith.constant 1 : i32
    scf.for %scan3A_625 = %scan3A to %scan3A_494 step %scan3A_495  : i32 {
      %mul3A_626 = arith.constant 16 : i32
      %mul3A_627 = arith.muli %scan3A_625, %mul3A_626 : i32
      %get3A_628 = arith.index_cast %mul3A_627 : i32 to index
      %get3A_629 = arith.constant 0 : index
      %get3A_630 = vector.load %arg3[%get3A_628, %get3A_629] : memref<160x128xf32, #tpu.memory_space<vmem>>, vector<16x128xf32>
      %mul3A_631 = arith.constant 16 : i32
      %mul3A_632 = arith.muli %scan3A_625, %mul3A_631 : i32
      %get3A_633 = arith.index_cast %mul3A_632 : i32 to index
      %get3A_634 = arith.constant 0 : index
      %get3A_635 = vector.load %arg4[%get3A_633, %get3A_634] : memref<160x128xf32, #tpu.memory_space<vmem>>, vector<16x128xf32>
      %mul3A_636 = arith.constant 16 : i32
      %mul3A_637 = arith.muli %scan3A_625, %mul3A_636 : i32
      %get3A_638 = arith.index_cast %mul3A_637 : i32 to index
      %get3A_639 = arith.constant 0 : index
      %get3A_640 = vector.load %arg5[%get3A_638, %get3A_639] : memref<160x128xf32, #tpu.memory_space<vmem>>, vector<16x128xf32>
      %slice3A_641 = vector.extract_strided_slice %get3A_630 {offsets = [0, 0], sizes = [1, 128], strides = [1, 1]} : vector<16x128xf32> to vector<1x128xf32>
      %mul3A_642 = vector.broadcast %slice3A_641 : vector<1x128xf32> to vector<128x128xf32>
      %mul3A_643 = arith.mulf %convert_element_type3A_434, %mul3A_642 : vector<128x128xf32>
      %reduce_sum3A_644 = arith.constant dense<0.000000e+00> : vector<128xf32>
      %reduce_sum3A_645 = vector.multi_reduction <add>, %mul3A_643, %reduce_sum3A_644 [1] : vector<128x128xf32> to vector<128xf32>
      %broadcast_in_dim3A_646 = vector.shape_cast %reduce_sum3A_645 : vector<128xf32> to vector<128x1xf32>
      %slice3A_647 = vector.extract_strided_slice %get3A_635 {offsets = [0, 0], sizes = [1, 128], strides = [1, 1]} : vector<16x128xf32> to vector<1x128xf32>
      %slice3A_648 = vector.extract_strided_slice %get3A_640 {offsets = [0, 0], sizes = [1, 128], strides = [1, 1]} : vector<16x128xf32> to vector<1x128xf32>
      %mul3A_649 = arith.constant 16 : i32
      %mul3A_650 = arith.muli %scan3A_625, %mul3A_649 : i32
      %add3A_651 = arith.constant 0 : i32
      %add3A_652 = arith.addi %mul3A_650, %add3A_651 : i32
      %convert_element_type3A_653 = arith.sitofp %add3A_652 : i32 to f32
      %mul3A_654 = arith.constant 1.280000e+02 : f32
      %mul3A_655 = arith.mulf %mul3A_654, %convert_element_type3A_653 : f32
      %add3A_656 = vector.broadcast %mul3A_655 : f32 to vector<1x128xf32>
      %add3A_657 = arith.addf %convert_element_type3A_478, %add3A_656 : vector<1x128xf32>
      %slice3A_658 = vector.extract_strided_slice %get3A_630 {offsets = [1, 0], sizes = [1, 128], strides = [1, 1]} : vector<16x128xf32> to vector<1x128xf32>
      %mul3A_659 = vector.broadcast %slice3A_658 : vector<1x128xf32> to vector<128x128xf32>
      %mul3A_660 = arith.mulf %convert_element_type3A_434, %mul3A_659 : vector<128x128xf32>
      %reduce_sum3A_661 = arith.constant dense<0.000000e+00> : vector<128xf32>
      %reduce_sum3A_662 = vector.multi_reduction <add>, %mul3A_660, %reduce_sum3A_661 [1] : vector<128x128xf32> to vector<128xf32>
      %broadcast_in_dim3A_663 = vector.shape_cast %reduce_sum3A_662 : vector<128xf32> to vector<128x1xf32>
      %slice3A_664 = vector.extract_strided_slice %get3A_635 {offsets = [1, 0], sizes = [1, 128], strides = [1, 1]} : vector<16x128xf32> to vector<1x128xf32>
      %slice3A_665 = vector.extract_strided_slice %get3A_640 {offsets = [1, 0], sizes = [1, 128], strides = [1, 1]} : vector<16x128xf32> to vector<1x128xf32>
      %mul3A_666 = arith.constant 16 : i32
      %mul3A_667 = arith.muli %scan3A_625, %mul3A_666 : i32
      %add3A_668 = arith.constant 1 : i32
      %add3A_669 = arith.addi %mul3A_667, %add3A_668 : i32
      %convert_element_type3A_670 = arith.sitofp %add3A_669 : i32 to f32
      %mul3A_671 = arith.constant 1.280000e+02 : f32
      %mul3A_672 = arith.mulf %mul3A_671, %convert_element_type3A_670 : f32
      %add3A_673 = vector.broadcast %mul3A_672 : f32 to vector<1x128xf32>
      %add3A_674 = arith.addf %convert_element_type3A_478, %add3A_673 : vector<1x128xf32>
      %slice3A_675 = vector.extract_strided_slice %get3A_630 {offsets = [2, 0], sizes = [1, 128], strides = [1, 1]} : vector<16x128xf32> to vector<1x128xf32>
      %mul3A_676 = vector.broadcast %slice3A_675 : vector<1x128xf32> to vector<128x128xf32>
      %mul3A_677 = arith.mulf %convert_element_type3A_434, %mul3A_676 : vector<128x128xf32>
      %reduce_sum3A_678 = arith.constant dense<0.000000e+00> : vector<128xf32>
      %reduce_sum3A_679 = vector.multi_reduction <add>, %mul3A_677, %reduce_sum3A_678 [1] : vector<128x128xf32> to vector<128xf32>
      %broadcast_in_dim3A_680 = vector.shape_cast %reduce_sum3A_679 : vector<128xf32> to vector<128x1xf32>
      %slice3A_681 = vector.extract_strided_slice %get3A_635 {offsets = [2, 0], sizes = [1, 128], strides = [1, 1]} : vector<16x128xf32> to vector<1x128xf32>
      %slice3A_682 = vector.extract_strided_slice %get3A_640 {offsets = [2, 0], sizes = [1, 128], strides = [1, 1]} : vector<16x128xf32> to vector<1x128xf32>
      %mul3A_683 = arith.constant 16 : i32
      %mul3A_684 = arith.muli %scan3A_625, %mul3A_683 : i32
      %add3A_685 = arith.constant 2 : i32
      %add3A_686 = arith.addi %mul3A_684, %add3A_685 : i32
      %convert_element_type3A_687 = arith.sitofp %add3A_686 : i32 to f32
      %mul3A_688 = arith.constant 1.280000e+02 : f32
      %mul3A_689 = arith.mulf %mul3A_688, %convert_element_type3A_687 : f32
      %add3A_690 = vector.broadcast %mul3A_689 : f32 to vector<1x128xf32>
      %add3A_691 = arith.addf %convert_element_type3A_478, %add3A_690 : vector<1x128xf32>
      %slice3A_692 = vector.extract_strided_slice %get3A_630 {offsets = [3, 0], sizes = [1, 128], strides = [1, 1]} : vector<16x128xf32> to vector<1x128xf32>
      %mul3A_693 = vector.broadcast %slice3A_692 : vector<1x128xf32> to vector<128x128xf32>
      %mul3A_694 = arith.mulf %convert_element_type3A_434, %mul3A_693 : vector<128x128xf32>
      %reduce_sum3A_695 = arith.constant dense<0.000000e+00> : vector<128xf32>
      %reduce_sum3A_696 = vector.multi_reduction <add>, %mul3A_694, %reduce_sum3A_695 [1] : vector<128x128xf32> to vector<128xf32>
      %broadcast_in_dim3A_697 = vector.shape_cast %reduce_sum3A_696 : vector<128xf32> to vector<128x1xf32>
      %slice3A_698 = vector.extract_strided_slice %get3A_635 {offsets = [3, 0], sizes = [1, 128], strides = [1, 1]} : vector<16x128xf32> to vector<1x128xf32>
      %slice3A_699 = vector.extract_strided_slice %get3A_640 {offsets = [3, 0], sizes = [1, 128], strides = [1, 1]} : vector<16x128xf32> to vector<1x128xf32>
      %mul3A_700 = arith.constant 16 : i32
      %mul3A_701 = arith.muli %scan3A_625, %mul3A_700 : i32
      %add3A_702 = arith.constant 3 : i32
      %add3A_703 = arith.addi %mul3A_701, %add3A_702 : i32
      %convert_element_type3A_704 = arith.sitofp %add3A_703 : i32 to f32
      %mul3A_705 = arith.constant 1.280000e+02 : f32
      %mul3A_706 = arith.mulf %mul3A_705, %convert_element_type3A_704 : f32
      %add3A_707 = vector.broadcast %mul3A_706 : f32 to vector<1x128xf32>
      %add3A_708 = arith.addf %convert_element_type3A_478, %add3A_707 : vector<1x128xf32>
      %slice3A_709 = vector.extract_strided_slice %get3A_630 {offsets = [4, 0], sizes = [1, 128], strides = [1, 1]} : vector<16x128xf32> to vector<1x128xf32>
      %mul3A_710 = vector.broadcast %slice3A_709 : vector<1x128xf32> to vector<128x128xf32>
      %mul3A_711 = arith.mulf %convert_element_type3A_434, %mul3A_710 : vector<128x128xf32>
      %reduce_sum3A_712 = arith.constant dense<0.000000e+00> : vector<128xf32>
      %reduce_sum3A_713 = vector.multi_reduction <add>, %mul3A_711, %reduce_sum3A_712 [1] : vector<128x128xf32> to vector<128xf32>
      %broadcast_in_dim3A_714 = vector.shape_cast %reduce_sum3A_713 : vector<128xf32> to vector<128x1xf32>
      %slice3A_715 = vector.extract_strided_slice %get3A_635 {offsets = [4, 0], sizes = [1, 128], strides = [1, 1]} : vector<16x128xf32> to vector<1x128xf32>
      %slice3A_716 = vector.extract_strided_slice %get3A_640 {offsets = [4, 0], sizes = [1, 128], strides = [1, 1]} : vector<16x128xf32> to vector<1x128xf32>
      %mul3A_717 = arith.constant 16 : i32
      %mul3A_718 = arith.muli %scan3A_625, %mul3A_717 : i32
      %add3A_719 = arith.constant 4 : i32
      %add3A_720 = arith.addi %mul3A_718, %add3A_719 : i32
      %convert_element_type3A_721 = arith.sitofp %add3A_720 : i32 to f32
      %mul3A_722 = arith.constant 1.280000e+02 : f32
      %mul3A_723 = arith.mulf %mul3A_722, %convert_element_type3A_721 : f32
      %add3A_724 = vector.broadcast %mul3A_723 : f32 to vector<1x128xf32>
      %add3A_725 = arith.addf %convert_element_type3A_478, %add3A_724 : vector<1x128xf32>
      %slice3A_726 = vector.extract_strided_slice %get3A_630 {offsets = [5, 0], sizes = [1, 128], strides = [1, 1]} : vector<16x128xf32> to vector<1x128xf32>
      %mul3A_727 = vector.broadcast %slice3A_726 : vector<1x128xf32> to vector<128x128xf32>
      %mul3A_728 = arith.mulf %convert_element_type3A_434, %mul3A_727 : vector<128x128xf32>
      %reduce_sum3A_729 = arith.constant dense<0.000000e+00> : vector<128xf32>
      %reduce_sum3A_730 = vector.multi_reduction <add>, %mul3A_728, %reduce_sum3A_729 [1] : vector<128x128xf32> to vector<128xf32>
      %broadcast_in_dim3A_731 = vector.shape_cast %reduce_sum3A_730 : vector<128xf32> to vector<128x1xf32>
      %slice3A_732 = vector.extract_strided_slice %get3A_635 {offsets = [5, 0], sizes = [1, 128], strides = [1, 1]} : vector<16x128xf32> to vector<1x128xf32>
      %slice3A_733 = vector.extract_strided_slice %get3A_640 {offsets = [5, 0], sizes = [1, 128], strides = [1, 1]} : vector<16x128xf32> to vector<1x128xf32>
      %mul3A_734 = arith.constant 16 : i32
      %mul3A_735 = arith.muli %scan3A_625, %mul3A_734 : i32
      %add3A_736 = arith.constant 5 : i32
      %add3A_737 = arith.addi %mul3A_735, %add3A_736 : i32
      %convert_element_type3A_738 = arith.sitofp %add3A_737 : i32 to f32
      %mul3A_739 = arith.constant 1.280000e+02 : f32
      %mul3A_740 = arith.mulf %mul3A_739, %convert_element_type3A_738 : f32
      %add3A_741 = vector.broadcast %mul3A_740 : f32 to vector<1x128xf32>
      %add3A_742 = arith.addf %convert_element_type3A_478, %add3A_741 : vector<1x128xf32>
      %slice3A_743 = vector.extract_strided_slice %get3A_630 {offsets = [6, 0], sizes = [1, 128], strides = [1, 1]} : vector<16x128xf32> to vector<1x128xf32>
      %mul3A_744 = vector.broadcast %slice3A_743 : vector<1x128xf32> to vector<128x128xf32>
      %mul3A_745 = arith.mulf %convert_element_type3A_434, %mul3A_744 : vector<128x128xf32>
      %reduce_sum3A_746 = arith.constant dense<0.000000e+00> : vector<128xf32>
      %reduce_sum3A_747 = vector.multi_reduction <add>, %mul3A_745, %reduce_sum3A_746 [1] : vector<128x128xf32> to vector<128xf32>
      %broadcast_in_dim3A_748 = vector.shape_cast %reduce_sum3A_747 : vector<128xf32> to vector<128x1xf32>
      %slice3A_749 = vector.extract_strided_slice %get3A_635 {offsets = [6, 0], sizes = [1, 128], strides = [1, 1]} : vector<16x128xf32> to vector<1x128xf32>
      %slice3A_750 = vector.extract_strided_slice %get3A_640 {offsets = [6, 0], sizes = [1, 128], strides = [1, 1]} : vector<16x128xf32> to vector<1x128xf32>
      %mul3A_751 = arith.constant 16 : i32
      %mul3A_752 = arith.muli %scan3A_625, %mul3A_751 : i32
      %add3A_753 = arith.constant 6 : i32
      %add3A_754 = arith.addi %mul3A_752, %add3A_753 : i32
      %convert_element_type3A_755 = arith.sitofp %add3A_754 : i32 to f32
      %mul3A_756 = arith.constant 1.280000e+02 : f32
      %mul3A_757 = arith.mulf %mul3A_756, %convert_element_type3A_755 : f32
      %add3A_758 = vector.broadcast %mul3A_757 : f32 to vector<1x128xf32>
      %add3A_759 = arith.addf %convert_element_type3A_478, %add3A_758 : vector<1x128xf32>
      %slice3A_760 = vector.extract_strided_slice %get3A_630 {offsets = [7, 0], sizes = [1, 128], strides = [1, 1]} : vector<16x128xf32> to vector<1x128xf32>
      %mul3A_761 = vector.broadcast %slice3A_760 : vector<1x128xf32> to vector<128x128xf32>
      %mul3A_762 = arith.mulf %convert_element_type3A_434, %mul3A_761 : vector<128x128xf32>
      %reduce_sum3A_763 = arith.constant dense<0.000000e+00> : vector<128xf32>
      %reduce_sum3A_764 = vector.multi_reduction <add>, %mul3A_762, %reduce_sum3A_763 [1] : vector<128x128xf32> to vector<128xf32>
      %broadcast_in_dim3A_765 = vector.shape_cast %reduce_sum3A_764 : vector<128xf32> to vector<128x1xf32>
      %slice3A_766 = vector.extract_strided_slice %get3A_635 {offsets = [7, 0], sizes = [1, 128], strides = [1, 1]} : vector<16x128xf32> to vector<1x128xf32>
      %slice3A_767 = vector.extract_strided_slice %get3A_640 {offsets = [7, 0], sizes = [1, 128], strides = [1, 1]} : vector<16x128xf32> to vector<1x128xf32>
      %mul3A_768 = arith.constant 16 : i32
      %mul3A_769 = arith.muli %scan3A_625, %mul3A_768 : i32
      %add3A_770 = arith.constant 7 : i32
      %add3A_771 = arith.addi %mul3A_769, %add3A_770 : i32
      %convert_element_type3A_772 = arith.sitofp %add3A_771 : i32 to f32
      %mul3A_773 = arith.constant 1.280000e+02 : f32
      %mul3A_774 = arith.mulf %mul3A_773, %convert_element_type3A_772 : f32
      %add3A_775 = vector.broadcast %mul3A_774 : f32 to vector<1x128xf32>
      %add3A_776 = arith.addf %convert_element_type3A_478, %add3A_775 : vector<1x128xf32>
      %slice3A_777 = vector.extract_strided_slice %get3A_630 {offsets = [8, 0], sizes = [1, 128], strides = [1, 1]} : vector<16x128xf32> to vector<1x128xf32>
      %mul3A_778 = vector.broadcast %slice3A_777 : vector<1x128xf32> to vector<128x128xf32>
      %mul3A_779 = arith.mulf %convert_element_type3A_434, %mul3A_778 : vector<128x128xf32>
      %reduce_sum3A_780 = arith.constant dense<0.000000e+00> : vector<128xf32>
      %reduce_sum3A_781 = vector.multi_reduction <add>, %mul3A_779, %reduce_sum3A_780 [1] : vector<128x128xf32> to vector<128xf32>
      %broadcast_in_dim3A_782 = vector.shape_cast %reduce_sum3A_781 : vector<128xf32> to vector<128x1xf32>
      %slice3A_783 = vector.extract_strided_slice %get3A_635 {offsets = [8, 0], sizes = [1, 128], strides = [1, 1]} : vector<16x128xf32> to vector<1x128xf32>
      %slice3A_784 = vector.extract_strided_slice %get3A_640 {offsets = [8, 0], sizes = [1, 128], strides = [1, 1]} : vector<16x128xf32> to vector<1x128xf32>
      %mul3A_785 = arith.constant 16 : i32
      %mul3A_786 = arith.muli %scan3A_625, %mul3A_785 : i32
      %add3A_787 = arith.constant 8 : i32
      %add3A_788 = arith.addi %mul3A_786, %add3A_787 : i32
      %convert_element_type3A_789 = arith.sitofp %add3A_788 : i32 to f32
      %mul3A_790 = arith.constant 1.280000e+02 : f32
      %mul3A_791 = arith.mulf %mul3A_790, %convert_element_type3A_789 : f32
      %add3A_792 = vector.broadcast %mul3A_791 : f32 to vector<1x128xf32>
      %add3A_793 = arith.addf %convert_element_type3A_478, %add3A_792 : vector<1x128xf32>
      %slice3A_794 = vector.extract_strided_slice %get3A_630 {offsets = [9, 0], sizes = [1, 128], strides = [1, 1]} : vector<16x128xf32> to vector<1x128xf32>
      %mul3A_795 = vector.broadcast %slice3A_794 : vector<1x128xf32> to vector<128x128xf32>
      %mul3A_796 = arith.mulf %convert_element_type3A_434, %mul3A_795 : vector<128x128xf32>
      %reduce_sum3A_797 = arith.constant dense<0.000000e+00> : vector<128xf32>
      %reduce_sum3A_798 = vector.multi_reduction <add>, %mul3A_796, %reduce_sum3A_797 [1] : vector<128x128xf32> to vector<128xf32>
      %broadcast_in_dim3A_799 = vector.shape_cast %reduce_sum3A_798 : vector<128xf32> to vector<128x1xf32>
      %slice3A_800 = vector.extract_strided_slice %get3A_635 {offsets = [9, 0], sizes = [1, 128], strides = [1, 1]} : vector<16x128xf32> to vector<1x128xf32>
      %slice3A_801 = vector.extract_strided_slice %get3A_640 {offsets = [9, 0], sizes = [1, 128], strides = [1, 1]} : vector<16x128xf32> to vector<1x128xf32>
      %mul3A_802 = arith.constant 16 : i32
      %mul3A_803 = arith.muli %scan3A_625, %mul3A_802 : i32
      %add3A_804 = arith.constant 9 : i32
      %add3A_805 = arith.addi %mul3A_803, %add3A_804 : i32
      %convert_element_type3A_806 = arith.sitofp %add3A_805 : i32 to f32
      %mul3A_807 = arith.constant 1.280000e+02 : f32
      %mul3A_808 = arith.mulf %mul3A_807, %convert_element_type3A_806 : f32
      %add3A_809 = vector.broadcast %mul3A_808 : f32 to vector<1x128xf32>
      %add3A_810 = arith.addf %convert_element_type3A_478, %add3A_809 : vector<1x128xf32>
      %slice3A_811 = vector.extract_strided_slice %get3A_630 {offsets = [10, 0], sizes = [1, 128], strides = [1, 1]} : vector<16x128xf32> to vector<1x128xf32>
      %mul3A_812 = vector.broadcast %slice3A_811 : vector<1x128xf32> to vector<128x128xf32>
      %mul3A_813 = arith.mulf %convert_element_type3A_434, %mul3A_812 : vector<128x128xf32>
      %reduce_sum3A_814 = arith.constant dense<0.000000e+00> : vector<128xf32>
      %reduce_sum3A_815 = vector.multi_reduction <add>, %mul3A_813, %reduce_sum3A_814 [1] : vector<128x128xf32> to vector<128xf32>
      %broadcast_in_dim3A_816 = vector.shape_cast %reduce_sum3A_815 : vector<128xf32> to vector<128x1xf32>
      %slice3A_817 = vector.extract_strided_slice %get3A_635 {offsets = [10, 0], sizes = [1, 128], strides = [1, 1]} : vector<16x128xf32> to vector<1x128xf32>
      %slice3A_818 = vector.extract_strided_slice %get3A_640 {offsets = [10, 0], sizes = [1, 128], strides = [1, 1]} : vector<16x128xf32> to vector<1x128xf32>
      %mul3A_819 = arith.constant 16 : i32
      %mul3A_820 = arith.muli %scan3A_625, %mul3A_819 : i32
      %add3A_821 = arith.constant 10 : i32
      %add3A_822 = arith.addi %mul3A_820, %add3A_821 : i32
      %convert_element_type3A_823 = arith.sitofp %add3A_822 : i32 to f32
      %mul3A_824 = arith.constant 1.280000e+02 : f32
      %mul3A_825 = arith.mulf %mul3A_824, %convert_element_type3A_823 : f32
      %add3A_826 = vector.broadcast %mul3A_825 : f32 to vector<1x128xf32>
      %add3A_827 = arith.addf %convert_element_type3A_478, %add3A_826 : vector<1x128xf32>
      %slice3A_828 = vector.extract_strided_slice %get3A_630 {offsets = [11, 0], sizes = [1, 128], strides = [1, 1]} : vector<16x128xf32> to vector<1x128xf32>
      %mul3A_829 = vector.broadcast %slice3A_828 : vector<1x128xf32> to vector<128x128xf32>
      %mul3A_830 = arith.mulf %convert_element_type3A_434, %mul3A_829 : vector<128x128xf32>
      %reduce_sum3A_831 = arith.constant dense<0.000000e+00> : vector<128xf32>
      %reduce_sum3A_832 = vector.multi_reduction <add>, %mul3A_830, %reduce_sum3A_831 [1] : vector<128x128xf32> to vector<128xf32>
      %broadcast_in_dim3A_833 = vector.shape_cast %reduce_sum3A_832 : vector<128xf32> to vector<128x1xf32>
      %slice3A_834 = vector.extract_strided_slice %get3A_635 {offsets = [11, 0], sizes = [1, 128], strides = [1, 1]} : vector<16x128xf32> to vector<1x128xf32>
      %slice3A_835 = vector.extract_strided_slice %get3A_640 {offsets = [11, 0], sizes = [1, 128], strides = [1, 1]} : vector<16x128xf32> to vector<1x128xf32>
      %mul3A_836 = arith.constant 16 : i32
      %mul3A_837 = arith.muli %scan3A_625, %mul3A_836 : i32
      %add3A_838 = arith.constant 11 : i32
      %add3A_839 = arith.addi %mul3A_837, %add3A_838 : i32
      %convert_element_type3A_840 = arith.sitofp %add3A_839 : i32 to f32
      %mul3A_841 = arith.constant 1.280000e+02 : f32
      %mul3A_842 = arith.mulf %mul3A_841, %convert_element_type3A_840 : f32
      %add3A_843 = vector.broadcast %mul3A_842 : f32 to vector<1x128xf32>
      %add3A_844 = arith.addf %convert_element_type3A_478, %add3A_843 : vector<1x128xf32>
      %slice3A_845 = vector.extract_strided_slice %get3A_630 {offsets = [12, 0], sizes = [1, 128], strides = [1, 1]} : vector<16x128xf32> to vector<1x128xf32>
      %mul3A_846 = vector.broadcast %slice3A_845 : vector<1x128xf32> to vector<128x128xf32>
      %mul3A_847 = arith.mulf %convert_element_type3A_434, %mul3A_846 : vector<128x128xf32>
      %reduce_sum3A_848 = arith.constant dense<0.000000e+00> : vector<128xf32>
      %reduce_sum3A_849 = vector.multi_reduction <add>, %mul3A_847, %reduce_sum3A_848 [1] : vector<128x128xf32> to vector<128xf32>
      %broadcast_in_dim3A_850 = vector.shape_cast %reduce_sum3A_849 : vector<128xf32> to vector<128x1xf32>
      %slice3A_851 = vector.extract_strided_slice %get3A_635 {offsets = [12, 0], sizes = [1, 128], strides = [1, 1]} : vector<16x128xf32> to vector<1x128xf32>
      %slice3A_852 = vector.extract_strided_slice %get3A_640 {offsets = [12, 0], sizes = [1, 128], strides = [1, 1]} : vector<16x128xf32> to vector<1x128xf32>
      %mul3A_853 = arith.constant 16 : i32
      %mul3A_854 = arith.muli %scan3A_625, %mul3A_853 : i32
      %add3A_855 = arith.constant 12 : i32
      %add3A_856 = arith.addi %mul3A_854, %add3A_855 : i32
      %convert_element_type3A_857 = arith.sitofp %add3A_856 : i32 to f32
      %mul3A_858 = arith.constant 1.280000e+02 : f32
      %mul3A_859 = arith.mulf %mul3A_858, %convert_element_type3A_857 : f32
      %add3A_860 = vector.broadcast %mul3A_859 : f32 to vector<1x128xf32>
      %add3A_861 = arith.addf %convert_element_type3A_478, %add3A_860 : vector<1x128xf32>
      %slice3A_862 = vector.extract_strided_slice %get3A_630 {offsets = [13, 0], sizes = [1, 128], strides = [1, 1]} : vector<16x128xf32> to vector<1x128xf32>
      %mul3A_863 = vector.broadcast %slice3A_862 : vector<1x128xf32> to vector<128x128xf32>
      %mul3A_864 = arith.mulf %convert_element_type3A_434, %mul3A_863 : vector<128x128xf32>
      %reduce_sum3A_865 = arith.constant dense<0.000000e+00> : vector<128xf32>
      %reduce_sum3A_866 = vector.multi_reduction <add>, %mul3A_864, %reduce_sum3A_865 [1] : vector<128x128xf32> to vector<128xf32>
      %broadcast_in_dim3A_867 = vector.shape_cast %reduce_sum3A_866 : vector<128xf32> to vector<128x1xf32>
      %slice3A_868 = vector.extract_strided_slice %get3A_635 {offsets = [13, 0], sizes = [1, 128], strides = [1, 1]} : vector<16x128xf32> to vector<1x128xf32>
      %slice3A_869 = vector.extract_strided_slice %get3A_640 {offsets = [13, 0], sizes = [1, 128], strides = [1, 1]} : vector<16x128xf32> to vector<1x128xf32>
      %mul3A_870 = arith.constant 16 : i32
      %mul3A_871 = arith.muli %scan3A_625, %mul3A_870 : i32
      %add3A_872 = arith.constant 13 : i32
      %add3A_873 = arith.addi %mul3A_871, %add3A_872 : i32
      %convert_element_type3A_874 = arith.sitofp %add3A_873 : i32 to f32
      %mul3A_875 = arith.constant 1.280000e+02 : f32
      %mul3A_876 = arith.mulf %mul3A_875, %convert_element_type3A_874 : f32
      %add3A_877 = vector.broadcast %mul3A_876 : f32 to vector<1x128xf32>
      %add3A_878 = arith.addf %convert_element_type3A_478, %add3A_877 : vector<1x128xf32>
      %slice3A_879 = vector.extract_strided_slice %get3A_630 {offsets = [14, 0], sizes = [1, 128], strides = [1, 1]} : vector<16x128xf32> to vector<1x128xf32>
      %mul3A_880 = vector.broadcast %slice3A_879 : vector<1x128xf32> to vector<128x128xf32>
      %mul3A_881 = arith.mulf %convert_element_type3A_434, %mul3A_880 : vector<128x128xf32>
      %reduce_sum3A_882 = arith.constant dense<0.000000e+00> : vector<128xf32>
      %reduce_sum3A_883 = vector.multi_reduction <add>, %mul3A_881, %reduce_sum3A_882 [1] : vector<128x128xf32> to vector<128xf32>
      %broadcast_in_dim3A_884 = vector.shape_cast %reduce_sum3A_883 : vector<128xf32> to vector<128x1xf32>
      %slice3A_885 = vector.extract_strided_slice %get3A_635 {offsets = [14, 0], sizes = [1, 128], strides = [1, 1]} : vector<16x128xf32> to vector<1x128xf32>
      %slice3A_886 = vector.extract_strided_slice %get3A_640 {offsets = [14, 0], sizes = [1, 128], strides = [1, 1]} : vector<16x128xf32> to vector<1x128xf32>
      %mul3A_887 = arith.constant 16 : i32
      %mul3A_888 = arith.muli %scan3A_625, %mul3A_887 : i32
      %add3A_889 = arith.constant 14 : i32
      %add3A_890 = arith.addi %mul3A_888, %add3A_889 : i32
      %convert_element_type3A_891 = arith.sitofp %add3A_890 : i32 to f32
      %mul3A_892 = arith.constant 1.280000e+02 : f32
      %mul3A_893 = arith.mulf %mul3A_892, %convert_element_type3A_891 : f32
      %add3A_894 = vector.broadcast %mul3A_893 : f32 to vector<1x128xf32>
      %add3A_895 = arith.addf %convert_element_type3A_478, %add3A_894 : vector<1x128xf32>
      %slice3A_896 = vector.extract_strided_slice %get3A_630 {offsets = [15, 0], sizes = [1, 128], strides = [1, 1]} : vector<16x128xf32> to vector<1x128xf32>
      %mul3A_897 = vector.broadcast %slice3A_896 : vector<1x128xf32> to vector<128x128xf32>
      %mul3A_898 = arith.mulf %convert_element_type3A_434, %mul3A_897 : vector<128x128xf32>
      %reduce_sum3A_899 = arith.constant dense<0.000000e+00> : vector<128xf32>
      %reduce_sum3A_900 = vector.multi_reduction <add>, %mul3A_898, %reduce_sum3A_899 [1] : vector<128x128xf32> to vector<128xf32>
      %broadcast_in_dim3A_901 = vector.shape_cast %reduce_sum3A_900 : vector<128xf32> to vector<128x1xf32>
      %slice3A_902 = vector.extract_strided_slice %get3A_635 {offsets = [15, 0], sizes = [1, 128], strides = [1, 1]} : vector<16x128xf32> to vector<1x128xf32>
      %slice3A_903 = vector.extract_strided_slice %get3A_640 {offsets = [15, 0], sizes = [1, 128], strides = [1, 1]} : vector<16x128xf32> to vector<1x128xf32>
      %mul3A_904 = arith.constant 16 : i32
      %mul3A_905 = arith.muli %scan3A_625, %mul3A_904 : i32
      %add3A_906 = arith.constant 15 : i32
      %add3A_907 = arith.addi %mul3A_905, %add3A_906 : i32
      %convert_element_type3A_908 = arith.sitofp %add3A_907 : i32 to f32
      %mul3A_909 = arith.constant 1.280000e+02 : f32
      %mul3A_910 = arith.mulf %mul3A_909, %convert_element_type3A_908 : f32
      %add3A_911 = vector.broadcast %mul3A_910 : f32 to vector<1x128xf32>
      %add3A_912 = arith.addf %convert_element_type3A_478, %add3A_911 : vector<1x128xf32>
      %concatenate3A_913 = tpu.concatenate %broadcast_in_dim3A_646, %broadcast_in_dim3A_663, %broadcast_in_dim3A_680, %broadcast_in_dim3A_697, %broadcast_in_dim3A_714, %broadcast_in_dim3A_731, %broadcast_in_dim3A_748, %broadcast_in_dim3A_765, %broadcast_in_dim3A_782, %broadcast_in_dim3A_799, %broadcast_in_dim3A_816, %broadcast_in_dim3A_833, %broadcast_in_dim3A_850, %broadcast_in_dim3A_867, %broadcast_in_dim3A_884, %broadcast_in_dim3A_901 in 0 : vector<128x1xf32>, vector<128x1xf32>, vector<128x1xf32>, vector<128x1xf32>, vector<128x1xf32>, vector<128x1xf32>, vector<128x1xf32>, vector<128x1xf32>, vector<128x1xf32>, vector<128x1xf32>, vector<128x1xf32>, vector<128x1xf32>, vector<128x1xf32>, vector<128x1xf32>, vector<128x1xf32>, vector<128x1xf32> -> vector<2048x1xf32>
      %eq3A_914 = vector.broadcast %concatenate3A_913 : vector<2048x1xf32> to vector<2048x384xf32>
      %eq3A_915 = vector.broadcast %convert_element_type3A_476 : vector<1x384xf32> to vector<2048x384xf32>
      %eq3A_916 = arith.cmpf oeq, %eq3A_914, %eq3A_915 : vector<2048x384xf32>
      %convert_element_type3A_917 = arith.extui %eq3A_916 : vector<2048x384xi1> to vector<2048x384xi32>
      %convert_element_type3A_918 = arith.sitofp %convert_element_type3A_917 : vector<2048x384xi32> to vector<2048x384xf32>
      %concatenate3A_919 = tpu.concatenate %slice3A_647, %slice3A_664, %slice3A_681, %slice3A_698, %slice3A_715, %slice3A_732, %slice3A_749, %slice3A_766, %slice3A_783, %slice3A_800, %slice3A_817, %slice3A_834, %slice3A_851, %slice3A_868, %slice3A_885, %slice3A_902 in 1 : vector<1x128xf32>, vector<1x128xf32>, vector<1x128xf32>, vector<1x128xf32>, vector<1x128xf32>, vector<1x128xf32>, vector<1x128xf32>, vector<1x128xf32>, vector<1x128xf32>, vector<1x128xf32>, vector<1x128xf32>, vector<1x128xf32>, vector<1x128xf32>, vector<1x128xf32>, vector<1x128xf32>, vector<1x128xf32> -> vector<1x2048xf32>
      %concatenate3A_920 = tpu.concatenate %slice3A_648, %slice3A_665, %slice3A_682, %slice3A_699, %slice3A_716, %slice3A_733, %slice3A_750, %slice3A_767, %slice3A_784, %slice3A_801, %slice3A_818, %slice3A_835, %slice3A_852, %slice3A_869, %slice3A_886, %slice3A_903 in 1 : vector<1x128xf32>, vector<1x128xf32>, vector<1x128xf32>, vector<1x128xf32>, vector<1x128xf32>, vector<1x128xf32>, vector<1x128xf32>, vector<1x128xf32>, vector<1x128xf32>, vector<1x128xf32>, vector<1x128xf32>, vector<1x128xf32>, vector<1x128xf32>, vector<1x128xf32>, vector<1x128xf32>, vector<1x128xf32> -> vector<1x2048xf32>
      %concatenate3A_921 = tpu.concatenate %add3A_657, %add3A_674, %add3A_691, %add3A_708, %add3A_725, %add3A_742, %add3A_759, %add3A_776, %add3A_793, %add3A_810, %add3A_827, %add3A_844, %add3A_861, %add3A_878, %add3A_895, %add3A_912 in 1 : vector<1x128xf32>, vector<1x128xf32>, vector<1x128xf32>, vector<1x128xf32>, vector<1x128xf32>, vector<1x128xf32>, vector<1x128xf32>, vector<1x128xf32>, vector<1x128xf32>, vector<1x128xf32>, vector<1x128xf32>, vector<1x128xf32>, vector<1x128xf32>, vector<1x128xf32>, vector<1x128xf32>, vector<1x128xf32> -> vector<1x2048xf32>
      %concatenate3A_922 = tpu.concatenate %concatenate3A_919, %concatenate3A_920, %concatenate3A_921 in 0 : vector<1x2048xf32>, vector<1x2048xf32>, vector<1x2048xf32> -> vector<3x2048xf32>
      %get3A_923 = arith.constant 0 : index
      %get3A_924 = arith.constant 0 : index
      %get3A_925 = vector.load %arg6[%get3A_923, %get3A_924] : memref<3x384xf32, #tpu.memory_space<vmem>>, vector<3x384xf32>
      %dot_general3A_926 = arith.constant dense<0.000000e+00> : vector<3x384xf32>
      %dot_general3A_927 = tpu.matmul %concatenate3A_922, %convert_element_type3A_918, %dot_general3A_926 {dimension_numbers = #tpu.dot_dimension_numbers<[1], [0], [0], [1], [0, 0, 1, 1], [], []>, precision = #tpu.contract_precision<fp32>, transpose_lhs_hint = false} : vector<3x2048xf32>, vector<2048x384xf32>, vector<3x384xf32> -> vector<3x384xf32>
      %add3A_928 = arith.addf %get3A_925, %dot_general3A_927 : vector<3x384xf32>
      %swap3A_929 = arith.constant 0 : index
      %swap3A_930 = arith.constant 0 : index
      %swap3A_931 = vector.load %arg6[%swap3A_929, %swap3A_930] : memref<3x384xf32, #tpu.memory_space<vmem>>, vector<3x384xf32>
      tpu.vector_store %arg6[%swap3A_929, %swap3A_930], %add3A_928 {strides = array<i32>} : memref<3x384xf32, #tpu.memory_space<vmem>>, vector<3x384xf32>,
    }
    %scan3A_496 = arith.constant 10 : i32
    %iota3A_497 = tpu.iota {dimensions = array<i32: 1>} : vector<1x384xi32>
    %lt3A_498 = arith.constant 300 : i32
    %lt3A_499 = vector.broadcast %lt3A_498 : i32 to vector<1x384xi32>
    %lt3A_500 = arith.cmpi slt, %iota3A_497, %lt3A_499 : vector<1x384xi32>
    %get3A_501 = arith.constant 0 : index
    %get3A_502 = arith.constant 0 : index
    %get3A_503 = vector.load %arg6[%get3A_501, %get3A_502] : memref<3x384xf32, #tpu.memory_space<vmem>>, vector<1x384xf32>
    %jit3A_504 = arith.constant -3.276800e+04 : f32
    %broadcast_in_dim3A_505 = vector.broadcast %jit3A_504 : f32 to vector<1x384xf32>
    %select_n3A_506 = arith.select %lt3A_500, %get3A_503, %broadcast_in_dim3A_505 : vector<1x384xi1>, vector<1x384xf32>
    %get3A_507 = arith.constant 1 : index
    %get3A_508 = arith.constant 0 : index
    %get3A_509 = vector.load %arg6[%get3A_507, %get3A_508] : memref<3x384xf32, #tpu.memory_space<vmem>>, vector<1x384xf32>
    %jit3A_510 = arith.constant 0.000000e+00 : f32
    %broadcast_in_dim3A_511 = vector.broadcast %jit3A_510 : f32 to vector<1x384xf32>
    %select_n3A_512 = arith.select %lt3A_500, %get3A_509, %broadcast_in_dim3A_511 : vector<1x384xi1>, vector<1x384xf32>
    %get3A_513 = arith.constant 2 : index
    %get3A_514 = arith.constant 0 : index
    %get3A_515 = vector.load %arg6[%get3A_513, %get3A_514] : memref<3x384xf32, #tpu.memory_space<vmem>>, vector<1x384xf32>
    %add3A_516 = arith.constant 4.000000e+06 : f32
    %add3A_517 = vector.broadcast %add3A_516 : f32 to vector<1x384xf32>
    %add3A_518 = arith.addf %add3A_517, %convert_element_type3A_476 : vector<1x384xf32>
    %select_n3A_519 = arith.select %lt3A_500, %get3A_515, %add3A_518 : vector<1x384xi1>, vector<1x384xf32>
    %slice3A = vector.extract_strided_slice %select_n3A_506 {offsets = [0, 0], sizes = [1, 128], strides = [1, 1]} : vector<1x384xf32> to vector<1x128xf32>
    %mul3A = vector.broadcast %slice3A : vector<1x128xf32> to vector<128x128xf32>
    %mul3A_520 = arith.mulf %convert_element_type3A_434, %mul3A : vector<128x128xf32>
    %reduce_sum3A_521 = arith.constant dense<0.000000e+00> : vector<128xf32>
    %reduce_sum3A_522 = vector.multi_reduction <add>, %mul3A_520, %reduce_sum3A_521 [1] : vector<128x128xf32> to vector<128xf32>
    %broadcast_in_dim3A_523 = vector.shape_cast %reduce_sum3A_522 : vector<128xf32> to vector<128x1xf32>
    %slice3A_524 = vector.extract_strided_slice %select_n3A_512 {offsets = [0, 0], sizes = [1, 128], strides = [1, 1]} : vector<1x384xf32> to vector<1x128xf32>
    %mul3A_525 = vector.broadcast %slice3A_524 : vector<1x128xf32> to vector<128x128xf32>
    %mul3A_526 = arith.mulf %convert_element_type3A_434, %mul3A_525 : vector<128x128xf32>
    %reduce_sum3A_527 = arith.constant dense<0.000000e+00> : vector<128xf32>
    %reduce_sum3A_528 = vector.multi_reduction <add>, %mul3A_526, %reduce_sum3A_527 [1] : vector<128x128xf32> to vector<128xf32>
    %broadcast_in_dim3A_529 = vector.shape_cast %reduce_sum3A_528 : vector<128xf32> to vector<128x1xf32>
    %slice3A_530 = vector.extract_strided_slice %select_n3A_519 {offsets = [0, 0], sizes = [1, 128], strides = [1, 1]} : vector<1x384xf32> to vector<1x128xf32>
    %mul3A_531 = vector.broadcast %slice3A_530 : vector<1x128xf32> to vector<128x128xf32>
    %mul3A_532 = arith.mulf %convert_element_type3A_434, %mul3A_531 : vector<128x128xf32>
    %reduce_sum3A_533 = arith.constant dense<0.000000e+00> : vector<128xf32>
    %reduce_sum3A_534 = vector.multi_reduction <add>, %mul3A_532, %reduce_sum3A_533 [1] : vector<128x128xf32> to vector<128xf32>
    %broadcast_in_dim3A_535 = vector.shape_cast %reduce_sum3A_534 : vector<128xf32> to vector<128x1xf32>
    %slice3A_536 = vector.extract_strided_slice %select_n3A_506 {offsets = [0, 128], sizes = [1, 128], strides = [1, 1]} : vector<1x384xf32> to vector<1x128xf32>
    %mul3A_537 = vector.broadcast %slice3A_536 : vector<1x128xf32> to vector<128x128xf32>
    %mul3A_538 = arith.mulf %convert_element_type3A_434, %mul3A_537 : vector<128x128xf32>
    %reduce_sum3A_539 = arith.constant dense<0.000000e+00> : vector<128xf32>
    %reduce_sum3A_540 = vector.multi_reduction <add>, %mul3A_538, %reduce_sum3A_539 [1] : vector<128x128xf32> to vector<128xf32>
    %broadcast_in_dim3A_541 = vector.shape_cast %reduce_sum3A_540 : vector<128xf32> to vector<128x1xf32>
    %slice3A_542 = vector.extract_strided_slice %select_n3A_512 {offsets = [0, 128], sizes = [1, 128], strides = [1, 1]} : vector<1x384xf32> to vector<1x128xf32>
    %mul3A_543 = vector.broadcast %slice3A_542 : vector<1x128xf32> to vector<128x128xf32>
    %mul3A_544 = arith.mulf %convert_element_type3A_434, %mul3A_543 : vector<128x128xf32>
    %reduce_sum3A_545 = arith.constant dense<0.000000e+00> : vector<128xf32>
    %reduce_sum3A_546 = vector.multi_reduction <add>, %mul3A_544, %reduce_sum3A_545 [1] : vector<128x128xf32> to vector<128xf32>
    %broadcast_in_dim3A_547 = vector.shape_cast %reduce_sum3A_546 : vector<128xf32> to vector<128x1xf32>
    %slice3A_548 = vector.extract_strided_slice %select_n3A_519 {offsets = [0, 128], sizes = [1, 128], strides = [1, 1]} : vector<1x384xf32> to vector<1x128xf32>
    %mul3A_549 = vector.broadcast %slice3A_548 : vector<1x128xf32> to vector<128x128xf32>
    %mul3A_550 = arith.mulf %convert_element_type3A_434, %mul3A_549 : vector<128x128xf32>
    %reduce_sum3A_551 = arith.constant dense<0.000000e+00> : vector<128xf32>
    %reduce_sum3A_552 = vector.multi_reduction <add>, %mul3A_550, %reduce_sum3A_551 [1] : vector<128x128xf32> to vector<128xf32>
    %broadcast_in_dim3A_553 = vector.shape_cast %reduce_sum3A_552 : vector<128xf32> to vector<128x1xf32>
    %slice3A_554 = vector.extract_strided_slice %select_n3A_506 {offsets = [0, 256], sizes = [1, 128], strides = [1, 1]} : vector<1x384xf32> to vector<1x128xf32>
    %mul3A_555 = vector.broadcast %slice3A_554 : vector<1x128xf32> to vector<128x128xf32>
    %mul3A_556 = arith.mulf %convert_element_type3A_434, %mul3A_555 : vector<128x128xf32>
    %reduce_sum3A_557 = arith.constant dense<0.000000e+00> : vector<128xf32>
    %reduce_sum3A_558 = vector.multi_reduction <add>, %mul3A_556, %reduce_sum3A_557 [1] : vector<128x128xf32> to vector<128xf32>
    %broadcast_in_dim3A_559 = vector.shape_cast %reduce_sum3A_558 : vector<128xf32> to vector<128x1xf32>
    %slice3A_560 = vector.extract_strided_slice %select_n3A_512 {offsets = [0, 256], sizes = [1, 128], strides = [1, 1]} : vector<1x384xf32> to vector<1x128xf32>
    %mul3A_561 = vector.broadcast %slice3A_560 : vector<1x128xf32> to vector<128x128xf32>
    %mul3A_562 = arith.mulf %convert_element_type3A_434, %mul3A_561 : vector<128x128xf32>
    %reduce_sum3A_563 = arith.constant dense<0.000000e+00> : vector<128xf32>
    %reduce_sum3A_564 = vector.multi_reduction <add>, %mul3A_562, %reduce_sum3A_563 [1] : vector<128x128xf32> to vector<128xf32>
    %broadcast_in_dim3A_565 = vector.shape_cast %reduce_sum3A_564 : vector<128xf32> to vector<128x1xf32>
    %slice3A_566 = vector.extract_strided_slice %select_n3A_519 {offsets = [0, 256], sizes = [1, 128], strides = [1, 1]} : vector<1x384xf32> to vector<1x128xf32>
    %mul3A_567 = vector.broadcast %slice3A_566 : vector<1x128xf32> to vector<128x128xf32>
    %mul3A_568 = arith.mulf %convert_element_type3A_434, %mul3A_567 : vector<128x128xf32>
    %reduce_sum3A_569 = arith.constant dense<0.000000e+00> : vector<128xf32>
    %reduce_sum3A_570 = vector.multi_reduction <add>, %mul3A_568, %reduce_sum3A_569 [1] : vector<128x128xf32> to vector<128xf32>
    %broadcast_in_dim3A_571 = vector.shape_cast %reduce_sum3A_570 : vector<128xf32> to vector<128x1xf32>
    %concatenate3A = tpu.concatenate %broadcast_in_dim3A_523, %broadcast_in_dim3A_541, %broadcast_in_dim3A_559 in 0 : vector<128x1xf32>, vector<128x1xf32>, vector<128x1xf32> -> vector<384x1xf32>
    %concatenate3A_572 = tpu.concatenate %broadcast_in_dim3A_529, %broadcast_in_dim3A_547, %broadcast_in_dim3A_565 in 0 : vector<128x1xf32>, vector<128x1xf32>, vector<128x1xf32> -> vector<384x1xf32>
    %concatenate3A_573 = tpu.concatenate %broadcast_in_dim3A_535, %broadcast_in_dim3A_553, %broadcast_in_dim3A_571 in 0 : vector<128x1xf32>, vector<128x1xf32>, vector<128x1xf32> -> vector<384x1xf32>
    %convert_element_type3A_574 = arith.fptosi %select_n3A_506 : vector<1x384xf32> to vector<1x384xi32>
    %shift_left3A = arith.constant 16 : i32
    %shift_left3A_575 = vector.broadcast %shift_left3A : i32 to vector<1x384xi32>
    %shift_left3A_576 = arith.shli %convert_element_type3A_574, %shift_left3A_575 : vector<1x384xi32>
    %convert_element_type3A_577 = arith.fptosi %select_n3A_512 : vector<1x384xf32> to vector<1x384xi32>
    %or3A_578 = arith.ori %shift_left3A_576, %convert_element_type3A_577 : vector<1x384xi32>
    %convert_element_type3A_579 = arith.fptosi %concatenate3A : vector<384x1xf32> to vector<384x1xi32>
    %shift_left3A_580 = arith.constant 16 : i32
    %shift_left3A_581 = vector.broadcast %shift_left3A_580 : i32 to vector<384x1xi32>
    %shift_left3A_582 = arith.shli %convert_element_type3A_579, %shift_left3A_581 : vector<384x1xi32>
    %convert_element_type3A_583 = arith.fptosi %concatenate3A_572 : vector<384x1xf32> to vector<384x1xi32>
    %or3A_584 = arith.ori %shift_left3A_582, %convert_element_type3A_583 : vector<384x1xi32>
    %gt3A_585 = vector.broadcast %or3A_578 : vector<1x384xi32> to vector<384x384xi32>
    %gt3A_586 = vector.broadcast %or3A_584 : vector<384x1xi32> to vector<384x384xi32>
    %gt3A_587 = arith.cmpi sgt, %gt3A_585, %gt3A_586 : vector<384x384xi32>
    %eq3A_588 = vector.broadcast %or3A_578 : vector<1x384xi32> to vector<384x384xi32>
    %eq3A_589 = vector.broadcast %or3A_584 : vector<384x1xi32> to vector<384x384xi32>
    %eq3A_590 = arith.cmpi eq, %eq3A_588, %eq3A_589 : vector<384x384xi32>
    %lt3A_591 = vector.broadcast %select_n3A_519 : vector<1x384xf32> to vector<384x384xf32>
    %lt3A_592 = vector.broadcast %concatenate3A_573 : vector<384x1xf32> to vector<384x384xf32>
    %lt3A_593 = arith.cmpf olt, %lt3A_591, %lt3A_592 : vector<384x384xf32>
    %and3A_594 = arith.andi %eq3A_590, %lt3A_593 : vector<384x384xi1>
    %or3A_595 = arith.ori %gt3A_587, %and3A_594 : vector<384x384xi1>
    %convert_element_type3A_596 = arith.extui %or3A_595 : vector<384x384xi1> to vector<384x384xi32>
    %convert_element_type3A_597 = arith.sitofp %convert_element_type3A_596 : vector<384x384xi32> to vector<384x384xf32>
    %reduce_sum3A_598 = arith.constant dense<0.000000e+00> : vector<384xf32>
    %reduce_sum3A_599 = vector.multi_reduction <add>, %convert_element_type3A_597, %reduce_sum3A_598 [1] : vector<384x384xf32> to vector<384xf32>
    %broadcast_in_dim3A_600 = vector.shape_cast %reduce_sum3A_599 : vector<384xf32> to vector<384x1xf32>
    %eq3A_601 = vector.broadcast %broadcast_in_dim3A_600 : vector<384x1xf32> to vector<384x384xf32>
    %eq3A_602 = vector.broadcast %convert_element_type3A_476 : vector<1x384xf32> to vector<384x384xf32>
    %eq3A_603 = arith.cmpf oeq, %eq3A_601, %eq3A_602 : vector<384x384xf32>
    %convert_element_type3A_604 = arith.extui %eq3A_603 : vector<384x384xi1> to vector<384x384xi32>
    %convert_element_type3A_605 = arith.sitofp %convert_element_type3A_604 : vector<384x384xi32> to vector<384x384xf32>
    %mul3A_606 = vector.broadcast %concatenate3A_573 : vector<384x1xf32> to vector<384x384xf32>
    %mul3A_607 = arith.mulf %convert_element_type3A_605, %mul3A_606 : vector<384x384xf32>
    %reduce_sum3A_608 = arith.constant dense<0.000000e+00> : vector<384xf32>
    %reduce_sum3A_609 = vector.multi_reduction <add>, %mul3A_607, %reduce_sum3A_608 [0] : vector<384x384xf32> to vector<384xf32>
    %broadcast_in_dim3A_610 = vector.shape_cast %reduce_sum3A_609 : vector<384xf32> to vector<1x384xf32>
    %convert_element_type3A_611 = arith.fptosi %broadcast_in_dim3A_610 : vector<1x384xf32> to vector<1x384xi32>
    %jit3A_612 = arith.constant 0 : i32
    %broadcast_in_dim3A_613 = vector.broadcast %jit3A_612 : i32 to vector<1x384xi32>
    %select_n3A_614 = arith.select %lt3A_500, %convert_element_type3A_611, %broadcast_in_dim3A_613 : vector<1x384xi1>, vector<1x384xi32>
    %mul3A_615 = arith.constant 20000 : i32
    %mul3A_616 = arith.muli %arg0, %mul3A_615 : i32
    %add3A_617 = vector.broadcast %mul3A_616 : i32 to vector<1x384xi32>
    %add3A_618 = arith.addi %select_n3A_614, %add3A_617 : vector<1x384xi32>
    %swap3A_619 = arith.constant 0 : index
    %swap3A_620 = arith.constant 0 : index
    %swap3A_621 = arith.constant 0 : index
    %swap3A_622 = vector.load %arg2[%swap3A_619, %swap3A_620, %swap3A_621] : memref<1x1x384xi32, #tpu.memory_space<vmem>>, vector<1x1x384xi32>
    %swap3A_623 = vector.shape_cast %swap3A_622 : vector<1x1x384xi32> to vector<1x384xi32>
    %swap3A_624 = vector.shape_cast %add3A_618 : vector<1x384xi32> to vector<1x1x384xi32>
    tpu.vector_store %arg2[%swap3A_619, %swap3A_620, %swap3A_621], %swap3A_624 {strides = array<i32>} : memref<1x1x384xi32, #tpu.memory_space<vmem>>, vector<1x1x384xi32>,
    return
  }
  func.func @transform_0(%arg0: i32) -> (i32, i32, i32) {
    %c0_i32 = arith.constant 0 : i32
    %c0_i32_0 = arith.constant 0 : i32
    %c0_i32_1 = arith.constant 0 : i32
    return %arg0, %c0_i32, %c0_i32_0 : i32, i32, i32
  }
  func.func @transform_1(%arg0: i32) -> (i32, i32, i32) {
    %c0_i32 = arith.constant 0 : i32
    %c0_i32_0 = arith.constant 0 : i32
    %c0_i32_1 = arith.constant 0 : i32
    return %arg0, %c0_i32, %c0_i32_0 : i32, i32, i32
  }
}

</mosaic_0001>

<sc_bundles>
// kernel: kernel.5.cloned.1.call-start
scs
__scs_entry_jumppad:
0x0: {  	(pc) =	sbr.rel $0x88, $3  }
0x1: {  	(tag) =	ssettag $0x0;
	lr =	simm.s32 $0x1  }
0x2: {  	[smem:$0x3F98] =	sst lr;
	_ =	strace $0xD0000000  }
0x3: {  	_ = 	snop  }
0x4: {  	_ = 	snop  }
0x5: {  	_ = 	snop  }
0x6: {  	_ = 	snop  }
0x7: {  	_ = 	snop  }
__scs_overlays_trampoline_lowered:
0x8: {  	[smem:$0x3FA7] =	sst s0  }
0x9: {  	[smem:$0x3FA8] =	sst s1  }
0xa: {  	[smem:$0x3FA9] =	sst s2  }
0xb: {  	[smem:$0x3FAA] =	sst s3  }
0xc: {  	[smem:$0x3FAB] =	sst s4  }
0xd: {  	[smem:$0x3FAC] =	sst s5  }
0xe: {  	[smem:$0x3FAD] =	sst s6  }
0xf: {  	[smem:$0x3FAE] =	sst s7  }
0x10: {  	[smem:$0x3FAF] =	sst s8  }
0x11: {  	[smem:$0x3FB0] =	sst s9;
	s0 =	simm.s32 @!p0 $0x0  }
0x12: {  	s1 =	sld [smem:$0x3F96];
	s0 =	simm.s32 @p0 $0x1  }
0x13: {  	[smem:$0x3FB1] =	sst s0;
	s0 =	simm.s32 @!p1 $0x0  }
0x14: {  	s2 =	sld [smem:$0x3F95];
	s0 =	simm.s32 @p1 $0x1  }
0x15: {  	[smem:$0x3FB2] =	sst s0;
	s0 =	simm.s32 @!p2 $0x0  }
0x16: {  	s3 =	sld [smem:$0x3FDB];
	s0 =	simm.s32 @p2 $0x1  }
0x17: {  	s4 =	simm.s32 $0x1BF5;
	[smem:$0x3FB4] =	sst s0  }
0x18: {  	s0 =	sld [smem:$0x3F97];
	_ =	swait.ge [sflag:s4], $0x0  }
0x19: {  	s7 =	sld [smem:$0x3F98]  }
0x1a: {  	s8 =	sadd.s32 $0xFFFFE003, lr  }
0x1b: {  	s9 =	sadd.s32 $0xFFFFFEF7, lr;
	s5 =	simm.s32 $0xFFFFFFFF;
	p2 =	slt.u32 s8, $0xFFFFF086  }
0x1c: {  	p1 =	slt.u32 s9, $0xF7A;
	s5 =	simm.s32 @!p2 $0x0  }
0x1d: {  	s5 =	simm.s32 @p1 $0x1;
	p0 =	seq.s32 s7, s2  }
0x1e: {  	s7 =	smul.u32 @!p0 $0xF7A, s2;
	p2 =	seq.s32 @!p0 s5, $0x0  }
0x1f: {  	s9 =	smul.u32 $0xF7A, s1;
	s8 =	simm.s32 @!p0 $0x1BF5;
	p2 =	por !p2, p0  }
0x20: {  	[sflag:s8] =	ssyncset.s32 @!p0 $0xFFFFF086;
	s6 =	sadd.s32 @!p0 s3, s7;
	s7 =	simm.s32 @!p0 $0x108  }
0x21: {  	s3 =	sadd.s32 s3, s9;
	s6 =	sadd.s32 @!p0 $0x88, s6;
	s7 =	simm.s32 @p2 $0x1082  }
0x22: {  	[simem:s7], [sflag:s8] =	dma.local @!p0 [hbm:s6], $0xF7A  }
0x23: {  	s9 =	sor.u32 $0xD0000000, s2;
	s6 =	simm.s32 $0x108;
	_ =	swait.ge @!p0 [sflag:s8], $0x0  }
0x24: {  	s3 =	sadd.s32 $0x88, s3;
	s6 =	simm.s32 @!p1 $0x1082;
	[sflag:s4] =	ssyncset.s32 $0xFFFFF086  }
0x25: {  	[simem:s6], [sflag:s4] =	dma.local [hbm:s3], $0xF7A  }
0x26: {  	[smem:$0x3F98] =	sst s1;
	(tag) =	ssettag s2;
	_ =	strace s9  }
0x27: {  	s1 =	sld [smem:$0x3FA8]  }
0x28: {  	s2 =	sld [smem:$0x3FA9]  }
0x29: {  	s4 =	sld [smem:$0x3FAB]  }
0x2a: {  	p0 =	seq.s32 s5, $0x0;
	s5 =	sld [smem:$0x3FAC]  }
0x2b: {  	s6 =	sld [smem:$0x3FAD]  }
0x2c: {  	s7 =	sld [smem:$0x3FAE]  }
0x2d: {  	s3 =	simm.s32 $0x108;
	s8 =	sld [smem:$0x3FAF]  }
0x2e: {  	s3 =	simm.s32 @!p0 $0x1082;
	s9 =	sld [smem:$0x3FB0]  }
0x2f: {  	lr =	sadd.s32 s0, s3;
	s0 =	sld [smem:$0x3FA7]  }
0x30: {  	s3 =	sld [smem:$0x3FAA]  }
0x31: {  	[smem:$0x3FB3] =	sst s10  }
0x32: {  	s10 =	sld [smem:$0x3FB1];
	_ =	sdelay $0x3  }
0x33: {  	p0 =	seq.s32 s10, $0x1;
	s10 =	sld [smem:$0x3FB3];
	_ =	sdelay $0x3  }
0x34: {  	[smem:$0x3FB3] =	sst s10  }
0x35: {  	s10 =	sld [smem:$0x3FB2];
	_ =	sdelay $0x3  }
0x36: {  	p1 =	seq.s32 s10, $0x1;
	s10 =	sld [smem:$0x3FB3];
	_ =	sdelay $0x3  }
0x37: {  	[smem:$0x3FB3] =	sst s10  }
0x38: {  	s10 =	sld [smem:$0x3FB4]  }
0x39: {  	_ = 	snop;
	(pc) =	sbr.ind lr, $3  }
0x3a: {  	_ = 	snop  }
0x3b: {  	_ = 	snop  }
0x3c: {  	p2 =	seq.s32 s10, $0x1;
	s10 =	sld [smem:$0x3FB3]  }
0x3d: {  	_ =	shalt  }
0x3e: {  	_ =	shalt  }
0x3f: {  	_ =	shalt  }
0x40: {  	_ =	shalt  }
0x41: {  	_ =	shalt  }
0x42: {  	_ =	shalt  }
0x43: {  	_ =	shalt  }
0x44: {  	_ =	shalt  }
0x45: {  	_ =	shalt  }
0x46: {  	_ =	shalt  }
0x47: {  	_ =	shalt  }
0x48: {  	_ =	shalt  }
0x49: {  	_ =	shalt  }
0x4a: {  	_ =	shalt  }
0x4b: {  	_ =	shalt  }
0x4c: {  	_ =	shalt  }
0x4d: {  	_ =	shalt  }
0x4e: {  	_ =	shalt  }
0x4f: {  	_ =	shalt  }
0x50: {  	_ =	shalt  }
0x51: {  	_ =	shalt  }
0x52: {  	_ =	shalt  }
0x53: {  	_ =	shalt  }
0x54: {  	_ =	shalt  }
0x55: {  	_ =	shalt  }
0x56: {  	_ =	shalt  }
0x57: {  	_ =	shalt  }
0x58: {  	_ =	shalt  }
0x59: {  	_ =	shalt  }
0x5a: {  	_ =	shalt  }
0x5b: {  	_ =	shalt  }
0x5c: {  	_ =	shalt  }
0x5d: {  	_ =	shalt  }
0x5e: {  	_ =	shalt  }
0x5f: {  	_ =	shalt  }
0x60: {  	_ =	shalt  }
0x61: {  	_ =	shalt  }
0x62: {  	_ =	shalt  }
0x63: {  	_ =	shalt  }
0x64: {  	_ =	shalt  }
0x65: {  	_ =	shalt  }
0x66: {  	_ =	shalt  }
0x67: {  	_ =	shalt  }
0x68: {  	_ =	shalt  }
0x69: {  	_ =	shalt  }
0x6a: {  	_ =	shalt  }
0x6b: {  	_ =	shalt  }
0x6c: {  	_ =	shalt  }
0x6d: {  	_ =	shalt  }
0x6e: {  	_ =	shalt  }
0x6f: {  	_ =	shalt  }
0x70: {  	_ =	shalt  }
0x71: {  	_ =	shalt  }
0x72: {  	_ =	shalt  }
0x73: {  	_ =	shalt  }
0x74: {  	_ =	shalt  }
0x75: {  	_ =	shalt  }
0x76: {  	_ =	shalt  }
0x77: {  	_ =	shalt  }
0x78: {  	_ =	shalt  }
0x79: {  	_ =	shalt  }
0x7a: {  	_ =	shalt  }
0x7b: {  	_ =	shalt  }
0x7c: {  	_ =	shalt  }
0x7d: {  	_ =	shalt  }
0x7e: {  	_ =	shalt  }
0x7f: {  	_ =	shalt  }
0x80: {  	_ =	shalt  }
0x81: {  	_ =	shalt  }
0x82: {  	_ =	shalt  }
0x83: {  	_ =	shalt  }
0x84: {  	_ =	shalt  }
0x85: {  	_ =	shalt  }
0x86: {  	_ =	shalt  }
0x87: {  	_ =	shalt  }
.Lfunc_end0:
.L_simem_size_0:
called_computation_lowered:
.L_overlay_start_0:
0x88: {  	s2 =	sld [smem:$0x3FD9]  }
0x89: {  	s3 =	sld [smem:$0x3FFE];
	_ =	sdelay $0x1  }
0x8a: {  	s1 =	srdreg.scid  }
0x8b: {  	s0 =	sand.u32 $0x1, s1  }
0x8c: {  	s14 =	sshll.u32 s0, $0xA;
	s2 =	sadd.s32 s3, s2  }
0x8d: {  	s2 =	sadd.s32 s2, s14  }
0x8e: {  	[smem:$0x3FBF] =	sst s2  }
0x8f: {  	_ = 	snop  }
0x90: {  	s2 =	sld [smem:$0x3FD0];
	_ =	sdelay $0x2  }
0x91: {  	s4 =	simm.s32 $0xA;
	s5 =	simm.s32 $0x10;
	s15 =	sld [smem:$0x3FC9]  }
0x92: {  	[smem:s5], [sflag:s4] =	dma.local [hbm:s2], $0x1  }
0x93: {  	_ =	swait.eq [sflag:s4], $0x1  }
0x94: {  	[sflag:s4] =	ssyncset.done $0x0  }
0x95: {  	s16 =	sld [smem:$0x10];
	[sflag:s4] =	ssyncadd.s32 $0xFFFFFFFF  }
0x96: {  	s17 =	sld [smem:$0x12];
	(tm) =	ssettm $0x1  }
0x97: {  	s18 =	sld [smem:$0x3FFB];
	_ =	sdelay $0x3  }
0x98: {  	_ =	strace s18  }
0x99: {  	s5 =	sld [smem:$0x3FFC];
	_ =	sdelay $0x3  }
0x9a: {  	_ =	strace s5  }
0x9b: {  	s5 =	sld [smem:$0x3FFD];
	_ =	sdelay $0x3  }
0x9c: {  	_ =	strace s5  }
0x9d: {  	_ =	strace $0x8FFFFFFF  }
0x9e: {  	s19 =	sld [smem:$0x3FDB];
	_ =	sdelay $0x1  }
0x9f: {  	s6 =	simm.s32 $_scs_section_size  }
0xa0: {  	s7 =	simm.s32 $_size__tile_overlayer_lowered;
	s8 =	simm.s32 $_tile_overlayer_lowered  }
0xa1: {  	s22 =	simm.s32 $0x1BFF;
	s21 =	sshll.u32 s8, $0x1;
	s5 =	sadd.s32 s6, s19  }
0xa2: {  	s9 =	simm.s32 $0x0;
	s20 =	sshll.u32 s7, $0x1;
	s7 =	sadd.s32 s21, s5  }
0xa3: {  	[timem:s9], [sflag:s22] =	dma.local [hbm:s7], s20  }
0xa4: {  	_ =	swait.ge [sflag:s22], s20  }
0xa5: {  	s6 =	ssub.s32 $0x0, s20;
	[sflag:s22] =	ssyncset.done $0x0  }
0xa6: {  	[sflag:s22] =	ssyncadd.s32 s6;
	_ =	sdelay $0x1  }
0xa7: {  	s23 =	simm.s32 $0x1B8B  }
0xa8: {  	_ =	swait.ge [sflag:s23], $0x1  }
0xa9: {  	[sflag:s23] =	ssyncset.done $0x0  }
0xaa: {  	s25 =	simm.s32 $0x1B8E;
	s24 =	sld [smem:$0x3FFE];
	[sflag:s23] =	ssyncadd.s32 $0xFFFFFFFF  }
0xab: {  	s26 =	simm.s32 $execute0_lowered;
	[smem:$0x3FD2] =	sst s25  }
0xac: {  	s7 =	sshll.u32 s26, $0x1;
	_ =	strace $0x80000046;
	[dreg:$0x1] =	wrdreg $0xFFFFFFFF  }
0xad: {  	s28 =	simm.s32 $_size_execute0_lowered;
	s5 =	sadd.s32 s5, s7;
	[dreg:$0x0] =	wrdreg $0x0  }
0xae: {  	s7 =	sshll.u32 s28, $0x1;
	[dreg:$0x2] =	wrdreg s5  }
0xaf: {  	[dreg:$0x3] =	wrdreg s7  }
0xb0: {  	[dreg:$0x4] =	wrdreg $0xC0  }
0xb1: {  	_ =	task [dreg:s9], $0x5FFFF  }
0xb2: {  	[dreg:$0x1] =	wrdreg $0xFFFFFFFF  }
0xb3: {  	[dreg:$0x0] =	wrdreg $0x60  }
0xb4: {  	[dreg:$0x2] =	wrdreg s17  }
0xb5: {  	[dreg:$0x3] =	wrdreg s15  }
0xb6: {  	[dreg:$0x4] =	wrdreg s24  }
0xb7: {  	[dreg:$0x5] =	wrdreg s16  }
0xb8: {  	[dreg:$0x6] =	wrdreg $0x9  }
0xb9: {  	_ =	task.clear_ibuf [dreg:s9], $0x7FFFF;
	_ =	strace $0x90000046  }
0xba: {  	s29 =	simm.s32 $0x9;
	_ =	strace $0x80000048  }
0xbb: {  	_ =	swait.ge [sflag:s29], $0x1  }
0xbc: {  	[sflag:s29] =	ssyncadd.s32 $0xFFFFFFFF  }
0xbd: {  	_ =	strace $0x90000048  }
0xbe: {  	_ =	sfence  }
0xbf: {  	s30 =	sld [smem:$0x0];
	_ =	sdelay $0x2  }
0xc0: {  	s31 =	sshll.u32 s1, $0xD;
	s1 =	sshrl.u32 s1, $0x2  }
0xc1: {  	s3 =	sand.u32 $0x4000, s31;
	s1 =	sadd.s32 s1, s30  }
0xc2: {  	s0 =	sor.u32 s3, s0;
	s1 =	sshll.u32 s1, $0x11  }
0xc3: {  	s0 =	sor.u32 s1, s0  }
0xc4: {  	s0 =	sadd.s32 $0x8F2B, s0  }
0xc5: {  	[sflag:s0] =	ssyncadd.remote.s32 $0x1  }
0xc6: {  	_ =	sfence.sel $0xFFFF  }
0xc7: {  	[dreg:$0x0] =	wrdreg $0xFFFFFFFF;
	(pc) =	sbr.abs _section_cstart, $3  }
0xc8: {  	[dreg:$0x1] =	wrdreg $0xFFFFFFFF  }
0xc9: {  	_ =	task.clear_ibuf [dreg:s9], $0x2FFFF;
	_ =	strace $0x9FFFFFFF  }
0xca: {  	(tm) =	ssettm $0x7FFFFFFF  }
0xcb: {  	_ =	shalt  }
tec
execute0_lowered:
.L_overlay_start_1:
0x0: {  	(tag) =	ssettag $0x1  }
0x1: {  	s5 =	rddreg [dreg:$0x0]  }
0x2: {  	s1 =	rddreg [dreg:$0x1]  }
0x3: {  	s6 =	rddreg [dreg:$0x2];
	s2 =	srdreg.scid  }
0x4: {  	s0 =	stileid.u32;
	s7 =	rddreg [dreg:$0x3];
	s3 =	simm.s32 $0x0  }
0x5: {  	s13 =	simm.s32 $0x1880;
	s14 =	simm.s32 $0x2080;
	s15 =	simm.s32 $0x1  }
0x6: {  	s16 =	simm.s32 $0x28;
	s4 =	sand.u32 $0x1, s2;
	s8 =	sshll.u32 s0, $0x1  }
0x7: {  	s17 =	simm.s32 $0x2880;
	s2 =	rddreg [dreg:$0x4];
	s8 =	sor.u32 s4, s8  }
0x8: {  	[smem:$0x7FF] =	sst s3;
	s10 =	ssub.s32 $0x2, s4;
	s9 =	smul.u32 $0x500, s8  }
0x9: {  	_ =	strace $0x80000047;
	s11 =	smul.u32 $0x5, s8;
	s12 =	sshrl.u32 s10, $0x1  }
0xa: {  	s4 =	sadd.s32 $0x271800, s6;
	s8 =	smul.u32 $0x280, s8;
	s31 =	ssub.s32 s10, s12  }
0xb: {  	v2 =	vlaneseq.u32;
	s10 =	simm.s32 $0x80;
	s12 =	simm.s32 $0x1080;
	s6 =	sadd.s32 s9, s6  }
0xc: {  	vm0 =	vmmov $0xffff;
	v1 =	vshrl.u32 v2, $0x3;
	s5 =	sadd.s32 s5, s11;
	s7 =	sadd.s32 s7, s8;
	s8 =	smax.u32 s31, $0x1  }
0xd: {  	v0 =	vand.u32 $0x7, v2;
	v2 =	vor.u32 $0x8, v2;
	v1 =	vmul.u32 $0x8, v1;
	s9 =	simm.s32 $0x2;
	s11 =	simm.s32 $0x880;
	s6 =	sadd.s32 $0x800, s6  }
.LBB2_1:
0xe: {  	[tilespmem:s3], [sflag:$0x2] =	stream.linear.gather [hbm4b:s5+s3], $0x28, $0x38;
	[tilespmem:$0x3C80] =	vst v63  }
0xf: {  	_ =	swait.ge [sflag:s9], $0x28  }
0x10: {  	[sflag:s9] =	ssyncset.done $0x0  }
0x11: {  	[sflag:s9] =	ssyncadd.s32 $0xFFFFFFD8  }
0x12: {  	v3 =	vld [tilespmem:$0x0];
	_ =	sdelay $0x4  }
0x13: {  	v4 =	vshll.u32 v3, $0x1  }
0x14: {  	v3 =	vand.u32 $0x7, v3;
	v4 =	vand.u32 $0xFFFFFFF0, v4  }
0x15: {  	v3 =	vor.u32 v3, v4  }
0x16: {  	v4 =	vperm.xlane v3, v0;
	_ =	sdelay $0x1  }
0x17: {  	v3 =	vperm.xlane v3, v2;
	v4 =	vadd.s32 v1, v4;
	_ =	sdelay $0x1  }
0x18: {  	v3 =	vadd.s32 v1, v3;
	_ =	sdelay $0x2  }
0x19: {  	[tilespmem:s10], [sflag:$0x1] =	stream.indirect_vreg.gather [hbm4b:s1+s3], $0x80, v4, vm0, $0xb8;
	[tilespmem:$0x3C80] =	vst v63  }
0x1a: {  	_ = 	snop  }
0x1b: {  	[tilespmem:s11], [sflag:$0x1] =	stream.indirect_vreg.gather [hbm4b:s1+s3], $0x80, v3, vm0, $0xb8;
	[tilespmem:$0x3C80] =	vst v63  }
0x1c: {  	v3 =	vld [tilespmem:$0x10];
	_ =	sdelay $0x4  }
0x1d: {  	v62 =	vshll.u32 v3, $0x1  }
0x1e: {  	v3 =	vand.u32 $0x7, v3;
	v4 =	vand.u32 $0xFFFFFFF0, v62  }
0x1f: {  	v3 =	vor.u32 v3, v4  }
0x20: {  	v4 =	vperm.xlane v3, v0;
	_ =	sdelay $0x1  }
0x21: {  	v3 =	vperm.xlane v3, v2;
	v4 =	vadd.s32 v1, v4;
	_ =	sdelay $0x1  }
0x22: {  	v3 =	vadd.s32 v1, v3;
	_ =	sdelay $0x2  }
0x23: {  	[tilespmem:s12], [sflag:$0x1] =	stream.indirect_vreg.gather [hbm4b:s1+s3], $0x80, v4, vm0, $0xb8;
	[tilespmem:$0x3C80] =	vst v63  }
0x24: {  	_ = 	snop  }
0x25: {  	[tilespmem:s13], [sflag:$0x1] =	stream.indirect_vreg.gather [hbm4b:s1+s3], $0x80, v3, vm0, $0xb8;
	[tilespmem:$0x3C80] =	vst v63  }
0x26: {  	v3 =	vld.msk [tilespmem:$0x20], $0xff;
	_ =	sdelay $0x4  }
0x27: {  	v63 =	vshll.u32 v3, $0x1  }
0x28: {  	v3 =	vand.u32 $0x7, v3;
	v4 =	vand.u32 $0xFFFFFFF0, v63  }
0x29: {  	v3 =	vor.u32 v3, v4  }
0x2a: {  	v3 =	vperm.xlane v3, v0;
	_ =	sdelay $0x1  }
0x2b: {  	v3 =	vadd.s32 v1, v3;
	_ =	sdelay $0x4  }
0x2c: {  	[tilespmem:s14], [sflag:$0x1] =	stream.indirect_vreg.gather [hbm4b:s1+s3], $0x80, v3, vm0, $0xb8;
	[tilespmem:$0x3C80] =	vst v63  }
0x2d: {  	_ =	swait.ge [sflag:s15], $0x2800  }
0x2e: {  	[sflag:s15] =	ssyncset.done $0x0  }
0x2f: {  	[sflag:s15] =	ssyncadd.s32 $0xFFFFD800  }
0x30: {  	[tilespmem:s17], [sflag:$0x1] =	stream.indirect.gather [hbm4b:s4+s16], $0x80, s3, s16, $0xb8;
	[tilespmem:$0x3C80] =	vst v63  }
0x31: {  	_ =	swait.ge [sflag:s15], $0x1400  }
0x32: {  	[sflag:s15] =	ssyncset.done $0x0  }
0x33: {  	[sflag:s15] =	ssyncadd.s32 $0xFFFFEC00  }
0x34: {  	[hbm4b:s6+s3] =	stream.linear.scatter [tilespmem:s10], [sflag:$0x2], $0x2800, $0x38;
	[tilespmem:$0x3C80] =	vst v63  }
0x35: {  	_ =	swait.ge [sflag:s9], $0x2800  }
0x36: {  	p0 =	sne.s32 s8, $0x1;
	[sflag:s9] =	ssyncset.done $0x0  }
.Ltmp0:
0x37: {  	[sflag:s9] =	ssyncadd.s32 $0xFFFFD800;
	(pc) =	sbr.rel @p0 .LBB2_1-.Ltmp0, $4  }
0x38: {  	[hbm4b:s7+s3] =	stream.linear.scatter [tilespmem:s17], [sflag:$0x2], $0x1400, $0x38;
	[tilespmem:$0x3C80] =	vst v63  }
0x39: {  	_ =	swait.ge [sflag:s9], $0x1400  }
0x3a: {  	[sflag:s9] =	ssyncset.done $0x0  }
0x3b: {  	s8 =	sadd.s32 $0xFFFFFFFF, s8;
	[sflag:s9] =	ssyncadd.s32 $0xFFFFEC00  }
0x3c: {  	_ =	sfence.sel $0x180000  }
0x3d: {  	[bflag:$0x0] =	sbarrier.arrive $0xFFFF  }
0x3e: {  	p0 =	sne.s32 s0, $0x0;
	_ =	strace $0x90000047  }
0x3f: {  	s0 =	sadd.s32 @!p0 $0x100000, s2;
	[bflag:$0x2] =	sbarrier.arrive $0xFFFF  }
0x40: {  	[sflag:s0] =	ssyncadd.tile.s32 @!p0 $0x1;
	_ =	shalt  }
.Lfunc_end2:
_tile_overlayer_lowered:
.L_overlay_start_2:
0x41: {  	(tag) =	ssettag $0x2  }
0x42: {  	s0 =	rddreg [dreg:$0x0];
	s2 =	stileid.u32  }
0x43: {  	s1 =	rddreg [dreg:$0x1];
	p0 =	sne.s32 s2, $0x0  }
0x44: {  	s3 =	rddreg [dreg:$0x2];
	[bflag:$0x3] =	sbarrier.arrive $0xFFFF;
	s2 =	simm.s32 @!p0 $0x1C02  }
0x45: {  	[timem:s3], [sflag:s2] =	dma.local @!p0 [hbm:s0], s1  }
0x46: {  	s0 =	simm.s32 @!p0 $0x2  }
0x47: {  	_ =	swait.ge @!p0 [sflag:s0], s1  }
0x48: {  	s1 =	ssub.s32 @!p0 $0x0, s1;
	[sflag:s0] =	ssyncset.done @!p0 $0x0  }
0x49: {  	[sflag:s0] =	ssyncadd.s32 @!p0 s1  }
0x4a: {  	[bflag:$0x3] =	sbarrier.arrive $0xFFFF  }
0x4b: {  	_ =	shalt  }

</sc_bundles>
